<compile_context>
chip_gen: v7x
topology: tpu7x:2x2x1
jax: 0.10.2.dev20260603
libtpu: 0.0.44.dev20260713+nightly
codegen_flags: <defaults>
</compile_context>

<pallas_src>
import functools

import jax
import jax.numpy as jnp
from jax import lax
from jax.experimental import pallas as pl
from jax.experimental.pallas import tpu as pltpu
from jax.experimental.pallas import tpu_sc as plsc

B = 4096
DAY = 7
AF = 26
UF = 26
EMB = 16
AP = DAY * AF
NW = 32
RPW = B // NW
CH = 8
NCHUNK = RPW // CH
AIC = CH * AP
UIC = CH * UF
GD = 128


_sc_mesh = plsc.VectorSubcoreMesh(core_axis_name="c", subcore_axis_name="s")


@functools.partial(
    pl.kernel,
    out_type=jax.ShapeDtypeStruct((B, EMB), jnp.float32),
    mesh=_sc_mesh,
    compiler_params=pltpu.CompilerParams(use_tc_tiling_on_sc=False),
    scratch_types=[
        pltpu.VMEM((AIC,), jnp.int32),
        pltpu.VMEM((UIC,), jnp.int32),
        pltpu.VMEM((AIC,), jnp.float32),
        pltpu.VMEM((UIC,), jnp.float32),
        pltpu.VMEM((AIC, EMB), jnp.float32),
        pltpu.VMEM((UIC, EMB), jnp.float32),
        pltpu.VMEM((AP * EMB,), jnp.float32),
        pltpu.VMEM((UF * EMB,), jnp.float32),
        pltpu.VMEM((RPW, EMB), jnp.float32),
        pltpu.SemaphoreType.DMA,
    ],
)
def _sc_gather_dot(a_table, u_table, ai, av, ui, uv, wa, wu, zp_hbm,
                   aidx_v, uidx_v, av_v, uv_v, arow_v, urow_v,
                   wa_v, wu_v, zp_v, sem):
    wid = lax.axis_index("s") * 2 + lax.axis_index("c")
    base = wid * RPW

    pltpu.sync_copy(wa, wa_v)
    pltpu.sync_copy(wu, wu_v)

    def chunk_body(c, carry):
        row0 = base + c * CH
        pltpu.sync_copy(ai.at[pl.ds(row0 * AP, AIC)], aidx_v)
        pltpu.sync_copy(ui.at[pl.ds(row0 * UF, UIC)], uidx_v)
        pltpu.sync_copy(av.at[pl.ds(row0 * AP, AIC)], av_v)
        pltpu.sync_copy(uv.at[pl.ds(row0 * UF, UIC)], uv_v)

        copies = []
        for j in range(AIC // GD):
            copies.append(pltpu.async_copy(
                a_table.at[aidx_v.at[pl.ds(j * GD, GD)]],
                arow_v.at[pl.ds(j * GD, GD)], sem))
        a_rem = AIC % GD
        copies.append(pltpu.async_copy(
            a_table.at[aidx_v.at[pl.ds(AIC - a_rem, a_rem)]],
            arow_v.at[pl.ds(AIC - a_rem, a_rem)], sem))
        copies.append(pltpu.async_copy(
            u_table.at[uidx_v.at[pl.ds(0, GD)]],
            urow_v.at[pl.ds(0, GD)], sem))
        u_rem = UIC - GD
        copies.append(pltpu.async_copy(
            u_table.at[uidx_v.at[pl.ds(GD, u_rem)]],
            urow_v.at[pl.ds(GD, u_rem)], sem))
        for cp in copies:
            cp.wait()

        def row_body(r, carry2):
            def a_pg(pg, acc):
                vbase = r * AP + pg * 16
                vals = av_v[pl.ds(vbase, 16)]
                for j in range(16):
                    row = arow_v[vbase + j, :]
                    wv = wa_v[pl.ds((pg * 16 + j) * 16, 16)]
                    acc = acc + row * (wv * vals[j])
                return acc

            acc = lax.fori_loop(0, AP // 16, a_pg,
                                jnp.zeros((16,), jnp.float32))

            tbase = r * AP + AP - 16
            tvals = av_v[pl.ds(tbase, 16)]
            for j in range(AP % 16):
                p = (AP // 16) * 16 + j
                row = arow_v[r * AP + p, :]
                wv = wa_v[pl.ds(p * 16, 16)]
                acc = acc + row * (wv * tvals[16 - (AP % 16) + j])

            vbase = r * UF
            uvals = uv_v[pl.ds(vbase, 16)]
            for j in range(16):
                row = urow_v[vbase + j, :]
                wv = wu_v[pl.ds(j * 16, 16)]
                acc = acc + row * (wv * uvals[j])

            utbase = r * UF + UF - 16
            utvals = uv_v[pl.ds(utbase, 16)]
            for j in range(UF - 16):
                p = 16 + j
                row = urow_v[r * UF + p, :]
                wv = wu_v[pl.ds(p * 16, 16)]
                acc = acc + row * (wv * utvals[16 - (UF - 16) + j])

            zp_v[c * CH + r, :] = acc
            return carry2

        lax.fori_loop(0, CH, row_body, 0)
        return carry

    lax.fori_loop(0, NCHUNK, chunk_body, 0)
    pltpu.sync_copy(zp_v, zp_hbm.at[pl.ds(base, RPW)])


def _epi_body(zp_ref, y_ref, b_ref, out_ref, loss_ref):
    z = jnp.sum(zp_ref[...], axis=1, keepdims=True) + b_ref[0, 0]
    out = 1.0 / (1.0 + jnp.exp(-z))
    out_ref[...] = out
    yb = (y_ref[...] >= 1e-5).astype(jnp.float32)
    p = jnp.clip(out, 1e-7, 1.0 - 1e-7)
    loss_ref[0, 0] = jnp.mean(-(yb * jnp.log(p) + (1.0 - yb) * jnp.log(1.0 - p)))


_epilogue = pl.pallas_call(
    _epi_body,
    out_shape=(jax.ShapeDtypeStruct((B, 1), jnp.float32),
               jax.ShapeDtypeStruct((1, 1), jnp.float32)),
    in_specs=[pl.BlockSpec(memory_space=pltpu.VMEM),
              pl.BlockSpec(memory_space=pltpu.VMEM),
              pl.BlockSpec(memory_space=pltpu.SMEM)],
    out_specs=(pl.BlockSpec(memory_space=pltpu.VMEM),
               pl.BlockSpec(memory_space=pltpu.SMEM)),
)



VOCAB = 1000000
RBT = 8192


def _tp_body(x_ref, o_ref):
    x = x_ref[...]
    x3 = x.reshape(EMB, RBT // 8, 8)
    o_ref[...] = x3.transpose(1, 2, 0).reshape(RBT // 8, 128)


_tp = pl.pallas_call(
    _tp_body,
    grid=((VOCAB + RBT - 1) // RBT,),
    in_specs=[pl.BlockSpec((EMB, RBT), lambda i: (0, i))],
    out_specs=pl.BlockSpec((RBT // 8, 128), lambda i: (i, 0)),
    out_shape=jax.ShapeDtypeStruct((VOCAB // 8, 128), jnp.float32),
)


def _to_rowmajor(table):
    return _tp(jnp.swapaxes(table, 0, 1)).reshape(VOCAB, EMB)


def kernel(ui, uv, ai, av, y, a_table, u_table, W, b):
    ai_f = ai.astype(jnp.int32).reshape(-1)
    av_f = av.reshape(-1)
    ui_f = ui.astype(jnp.int32).reshape(-1)
    uv_f = uv.reshape(-1)
    wa = W[:AP * EMB, 0]
    wu = W[AP * EMB:, 0]

    zp = _sc_gather_dot(_to_rowmajor(a_table), _to_rowmajor(u_table),
                        ai_f, av_f, ui_f, uv_f, wa, wu)
    out, loss = _epilogue(zp, y, b.reshape(1, 1))
    return (loss.reshape(()), out)

# --- scband reference (transcript-rebuilt; emitter-appended) ---
"""Pipeline reference for scband-lr-14396730376314 (READ-ONLY COPY).

The authoritative reference and input builder live on the scoring server;
editing this copy changes nothing except your own understanding.
"""

import jax, jax.numpy as jnp
import numpy as np

BATCH = 4096
DAY = 7
A_FIELDS = 26
U_FIELDS = 26
EMB = 16
A_VOCAB = 1000000
U_VOCAB = 1000000
INPUT_SIZE = DAY * A_FIELDS * EMB + U_FIELDS * EMB


def setup_inputs(seed: int = 0) -> dict:
    key = jax.random.key(seed)
    ks = jax.random.split(key, 9)
    ui = jax.random.randint(ks[0], (BATCH, U_FIELDS), 0, U_VOCAB, dtype=jnp.int32).astype(jnp.int64) if False else jax.random.randint(ks[0], (BATCH, U_FIELDS), 0, U_VOCAB)
    uv = jax.random.uniform(ks[1], (BATCH, U_FIELDS), dtype=jnp.float32)
    ai = jax.random.randint(ks[2], (BATCH, DAY, A_FIELDS), 0, A_VOCAB)
    av = jax.random.uniform(ks[3], (BATCH, DAY, A_FIELDS), dtype=jnp.float32)
    y = jax.random.uniform(ks[4], (BATCH, 1), dtype=jnp.float32)
    a_table = jax.random.normal(ks[5], (A_VOCAB, EMB), dtype=jnp.float32) * 0.01
    u_table = jax.random.normal(ks[6], (U_VOCAB, EMB), dtype=jnp.float32) * 0.01
    W = jax.random.normal(ks[7], (INPUT_SIZE, 1), dtype=jnp.float32) * 0.01
    b = jnp.zeros((1,), dtype=jnp.float32)
    return {"ui": ui, "uv": uv, "ai": ai, "av": av, "y": y,
            "a_table": a_table, "u_table": u_table, "W": W, "b": b}


def reference(ui, uv, ai, av, y, a_table, u_table, W, b):
    # embedding lookups (SparseCore gather)
    a_emb = jnp.take(a_table, ai, axis=0)            # [B, DAY, AF, EMB]
    u_emb = jnp.take(u_table, ui, axis=0)            # [B, UF, EMB]
    # value-weighting
    a_emb = a_emb * av.reshape(-1, DAY, A_FIELDS, 1)
    u_emb = u_emb * uv.reshape(-1, U_FIELDS, 1)
    a_flat = a_emb.reshape(BATCH, -1)
    u_flat = u_emb.reshape(BATCH, -1)
    deep_input = jnp.concatenate([a_flat, u_flat], axis=1)
    out = deep_input @ W + b
    out = jax.nn.sigmoid(out)
    # BCE loss path (lossFun == 'BCE')
    y_true_bool = (y >= 1e-5).astype(jnp.float32)
    eps = 1e-7
    p = jnp.clip(out, eps, 1.0 - eps)
    loss = jnp.mean(-(y_true_bool * jnp.log(p) + (1.0 - y_true_bool) * jnp.log(1.0 - p)))
    return (loss, out)

if __name__ == "__main__":
    import jax
    _d = setup_inputs()
    print(jax.jit(kernel)(*tuple(_d.values())))

</pallas_src>

<mosaic_0001>
#map = affine_map<(d0, d1) -> (0, 0)>
#map1 = affine_map<(d0, d1) -> (0)>
module attributes {stable_mosaic.version = 14 : i64} {
  func.func @_sc_gather_dot(%arg0: i32, %arg1: i32, %arg2: memref<1000000x16xf32, #tpu.memory_space<hbm>>, %arg3: memref<1000000x16xf32, #tpu.memory_space<hbm>>, %arg4: memref<745472xi32, #tpu.memory_space<hbm>>, %arg5: memref<745472xf32, #tpu.memory_space<hbm>>, %arg6: memref<106496xi32, #tpu.memory_space<hbm>>, %arg7: memref<106496xf32, #tpu.memory_space<hbm>>, %arg8: memref<2912xf32, #tpu.memory_space<hbm>>, %arg9: memref<416xf32, #tpu.memory_space<hbm>>, %arg10: memref<4096x16xf32, #tpu.memory_space<hbm>>, %arg11: memref<1456xi32, #tpu.memory_space<vmem>>, %arg12: memref<208xi32, #tpu.memory_space<vmem>>, %arg13: memref<1456xf32, #tpu.memory_space<vmem>>, %arg14: memref<208xf32, #tpu.memory_space<vmem>>, %arg15: memref<1456x16xf32, #tpu.memory_space<vmem>>, %arg16: memref<208x16xf32, #tpu.memory_space<vmem>>, %arg17: memref<2912xf32, #tpu.memory_space<vmem>>, %arg18: memref<416xf32, #tpu.memory_space<vmem>>, %arg19: memref<128x16xf32, #tpu.memory_space<vmem>>, %arg20: memref<!tpu.dma_semaphore, #tpu.memory_space<semaphore_mem>>) attributes {dimension_semantics = [#tpu.dimension_semantics<core_parallel>, #tpu.dimension_semantics<subcore_parallel>], iteration_bounds = array<i64: 2, 16>, scalar_prefetch = 0 : i64, scratch_operands = 10 : i64, tpu.core_type = #tpu.core_type<sc_vector_subcore>, window_params = [{transform_indices = #map}, {transform_indices = #map}, {transform_indices = #map1}, {transform_indices = #map1}, {transform_indices = #map1}, {transform_indices = #map1}, {transform_indices = #map1}, {transform_indices = #map1}, {transform_indices = #map}]} {
    %mul3A = arith.constant 2 : i32
    %mul3A_0 = arith.muli %arg1, %mul3A : i32
    %add3A = arith.addi %mul3A_0, %arg0 : i32
    %mul3A_1 = arith.constant 128 : i32
    %mul3A_2 = arith.muli %add3A, %mul3A_1 : i32
    "tpu.region"() ({
      %run_scoped3A = tpu.sem_alloc : memref<!tpu.dma_semaphore, #tpu.memory_space<semaphore_mem>>
      tpu.enqueue_dma source(%arg8 : memref<2912xf32, #tpu.memory_space<hbm>>) target(%arg17 : memref<2912xf32, #tpu.memory_space<vmem>>) target_semaphore(%run_scoped3A : memref<!tpu.dma_semaphore, #tpu.memory_space<semaphore_mem>>)
      tpu.wait_dma2 semaphore(%run_scoped3A : memref<!tpu.dma_semaphore, #tpu.memory_space<semaphore_mem>>) src(%arg8 : memref<2912xf32, #tpu.memory_space<hbm>>) dst(%arg17 : memref<2912xf32, #tpu.memory_space<vmem>>)
      tpu.yield
    }) : () -> ()
    "tpu.region"() ({
      %run_scoped3A = tpu.sem_alloc : memref<!tpu.dma_semaphore, #tpu.memory_space<semaphore_mem>>
      tpu.enqueue_dma source(%arg9 : memref<416xf32, #tpu.memory_space<hbm>>) target(%arg18 : memref<416xf32, #tpu.memory_space<vmem>>) target_semaphore(%run_scoped3A : memref<!tpu.dma_semaphore, #tpu.memory_space<semaphore_mem>>)
      tpu.wait_dma2 semaphore(%run_scoped3A : memref<!tpu.dma_semaphore, #tpu.memory_space<semaphore_mem>>) src(%arg9 : memref<416xf32, #tpu.memory_space<hbm>>) dst(%arg18 : memref<416xf32, #tpu.memory_space<vmem>>)
      tpu.yield
    }) : () -> ()
    %scan3A = arith.constant 0 : i32
    %scan3A_3 = arith.constant 0 : i32
    %scan3A_4 = arith.constant 16 : i32
    %scan3A_5 = arith.addi %scan3A_3, %scan3A_4 : i32
    %scan3A_6 = arith.constant 1 : i32
    scf.for %scan3A_8 = %scan3A_3 to %scan3A_5 step %scan3A_6  : i32 {
      %mul3A_9 = arith.constant 8 : i32
      %mul3A_10 = arith.muli %scan3A_8, %mul3A_9 : i32
      %add3A_11 = arith.addi %mul3A_2, %mul3A_10 : i32
      %mul3A_12 = arith.constant 182 : i32
      %mul3A_13 = arith.muli %add3A_11, %mul3A_12 : i32
      "tpu.region"() ({
        %run_scoped3A = tpu.sem_alloc : memref<!tpu.dma_semaphore, #tpu.memory_space<semaphore_mem>>
        %dma_start3A_248 = tpu.memref_slice %arg4[%mul3A_13] : memref<745472xi32, #tpu.memory_space<hbm>> -> memref<1456xi32, #tpu.memory_space<hbm>>
        %dma_start3A_249 = tpu.memref_slice %arg4[%mul3A_13] : memref<745472xi32, #tpu.memory_space<hbm>> -> memref<1456xi32, #tpu.memory_space<hbm>>
        tpu.enqueue_dma source(%dma_start3A_249 : memref<1456xi32, #tpu.memory_space<hbm>>) target(%arg11 : memref<1456xi32, #tpu.memory_space<vmem>>) target_semaphore(%run_scoped3A : memref<!tpu.dma_semaphore, #tpu.memory_space<semaphore_mem>>)
        %dma_wait3A_250 = tpu.memref_slice %arg4[%mul3A_13] : memref<745472xi32, #tpu.memory_space<hbm>> -> memref<1456xi32, #tpu.memory_space<hbm>>
        %dma_wait3A_251 = tpu.memref_slice %arg4[%mul3A_13] : memref<745472xi32, #tpu.memory_space<hbm>> -> memref<1456xi32, #tpu.memory_space<hbm>>
        tpu.wait_dma2 semaphore(%run_scoped3A : memref<!tpu.dma_semaphore, #tpu.memory_space<semaphore_mem>>) src(%dma_wait3A_251 : memref<1456xi32, #tpu.memory_space<hbm>>) dst(%arg11 : memref<1456xi32, #tpu.memory_space<vmem>>)
        tpu.yield
      }) : () -> ()
      %mul3A_14 = arith.constant 26 : i32
      %mul3A_15 = arith.muli %add3A_11, %mul3A_14 : i32
      "tpu.region"() ({
        %run_scoped3A = tpu.sem_alloc : memref<!tpu.dma_semaphore, #tpu.memory_space<semaphore_mem>>
        %dma_start3A_248 = tpu.memref_slice %arg6[%mul3A_15] : memref<106496xi32, #tpu.memory_space<hbm>> -> memref<208xi32, #tpu.memory_space<hbm>>
        %dma_start3A_249 = tpu.memref_slice %arg6[%mul3A_15] : memref<106496xi32, #tpu.memory_space<hbm>> -> memref<208xi32, #tpu.memory_space<hbm>>
        tpu.enqueue_dma source(%dma_start3A_249 : memref<208xi32, #tpu.memory_space<hbm>>) target(%arg12 : memref<208xi32, #tpu.memory_space<vmem>>) target_semaphore(%run_scoped3A : memref<!tpu.dma_semaphore, #tpu.memory_space<semaphore_mem>>)
        %dma_wait3A_250 = tpu.memref_slice %arg6[%mul3A_15] : memref<106496xi32, #tpu.memory_space<hbm>> -> memref<208xi32, #tpu.memory_space<hbm>>
        %dma_wait3A_251 = tpu.memref_slice %arg6[%mul3A_15] : memref<106496xi32, #tpu.memory_space<hbm>> -> memref<208xi32, #tpu.memory_space<hbm>>
        tpu.wait_dma2 semaphore(%run_scoped3A : memref<!tpu.dma_semaphore, #tpu.memory_space<semaphore_mem>>) src(%dma_wait3A_251 : memref<208xi32, #tpu.memory_space<hbm>>) dst(%arg12 : memref<208xi32, #tpu.memory_space<vmem>>)
        tpu.yield
      }) : () -> ()
      %mul3A_16 = arith.constant 182 : i32
      %mul3A_17 = arith.muli %add3A_11, %mul3A_16 : i32
      "tpu.region"() ({
        %run_scoped3A = tpu.sem_alloc : memref<!tpu.dma_semaphore, #tpu.memory_space<semaphore_mem>>
        %dma_start3A_248 = tpu.memref_slice %arg5[%mul3A_17] : memref<745472xf32, #tpu.memory_space<hbm>> -> memref<1456xf32, #tpu.memory_space<hbm>>
        %dma_start3A_249 = tpu.memref_slice %arg5[%mul3A_17] : memref<745472xf32, #tpu.memory_space<hbm>> -> memref<1456xf32, #tpu.memory_space<hbm>>
        tpu.enqueue_dma source(%dma_start3A_249 : memref<1456xf32, #tpu.memory_space<hbm>>) target(%arg13 : memref<1456xf32, #tpu.memory_space<vmem>>) target_semaphore(%run_scoped3A : memref<!tpu.dma_semaphore, #tpu.memory_space<semaphore_mem>>)
        %dma_wait3A_250 = tpu.memref_slice %arg5[%mul3A_17] : memref<745472xf32, #tpu.memory_space<hbm>> -> memref<1456xf32, #tpu.memory_space<hbm>>
        %dma_wait3A_251 = tpu.memref_slice %arg5[%mul3A_17] : memref<745472xf32, #tpu.memory_space<hbm>> -> memref<1456xf32, #tpu.memory_space<hbm>>
        tpu.wait_dma2 semaphore(%run_scoped3A : memref<!tpu.dma_semaphore, #tpu.memory_space<semaphore_mem>>) src(%dma_wait3A_251 : memref<1456xf32, #tpu.memory_space<hbm>>) dst(%arg13 : memref<1456xf32, #tpu.memory_space<vmem>>)
        tpu.yield
      }) : () -> ()
      %mul3A_18 = arith.constant 26 : i32
      %mul3A_19 = arith.muli %add3A_11, %mul3A_18 : i32
      "tpu.region"() ({
        %run_scoped3A = tpu.sem_alloc : memref<!tpu.dma_semaphore, #tpu.memory_space<semaphore_mem>>
        %dma_start3A_248 = tpu.memref_slice %arg7[%mul3A_19] : memref<106496xf32, #tpu.memory_space<hbm>> -> memref<208xf32, #tpu.memory_space<hbm>>
        %dma_start3A_249 = tpu.memref_slice %arg7[%mul3A_19] : memref<106496xf32, #tpu.memory_space<hbm>> -> memref<208xf32, #tpu.memory_space<hbm>>
        tpu.enqueue_dma source(%dma_start3A_249 : memref<208xf32, #tpu.memory_space<hbm>>) target(%arg14 : memref<208xf32, #tpu.memory_space<vmem>>) target_semaphore(%run_scoped3A : memref<!tpu.dma_semaphore, #tpu.memory_space<semaphore_mem>>)
        %dma_wait3A_250 = tpu.memref_slice %arg7[%mul3A_19] : memref<106496xf32, #tpu.memory_space<hbm>> -> memref<208xf32, #tpu.memory_space<hbm>>
        %dma_wait3A_251 = tpu.memref_slice %arg7[%mul3A_19] : memref<106496xf32, #tpu.memory_space<hbm>> -> memref<208xf32, #tpu.memory_space<hbm>>
        tpu.wait_dma2 semaphore(%run_scoped3A : memref<!tpu.dma_semaphore, #tpu.memory_space<semaphore_mem>>) src(%dma_wait3A_251 : memref<208xf32, #tpu.memory_space<hbm>>) dst(%arg14 : memref<208xf32, #tpu.memory_space<vmem>>)
        tpu.yield
      }) : () -> ()
      %dma_start3A = arith.constant 0 : i32
      %dma_start3A_20 = arith.constant 0 : i32
      %dma_start3A_21 = tpu.memref_slice %arg15[%dma_start3A, %dma_start3A_20] : memref<1456x16xf32, #tpu.memory_space<vmem>> -> memref<128x16xf32, #tpu.memory_space<vmem>>
      %dma_start3A_22 = arith.constant 0 : i32
      %dma_start3A_23 = tpu.memref_slice %arg11[%dma_start3A_22] : memref<1456xi32, #tpu.memory_space<vmem>> -> memref<128xi32, #tpu.memory_space<vmem>>
      %dma_start3A_24 = arith.constant 0 : i32
      %dma_start3A_25 = arith.constant 0 : i32
      %dma_start3A_26 = tpu.memref_slice %arg2[%dma_start3A_24, %dma_start3A_25] : memref<1000000x16xf32, #tpu.memory_space<hbm>> -> memref<1000000x16xf32, #tpu.memory_space<hbm>>
      tpu.enqueue_indirect_dma source(%dma_start3A_26 : memref<1000000x16xf32, #tpu.memory_space<hbm>>) target(%dma_start3A_21 : memref<128x16xf32, #tpu.memory_space<vmem>>) offsets(%dma_start3A_23 : memref<128xi32, #tpu.memory_space<vmem>>) semaphore(%arg20 : memref<!tpu.dma_semaphore, #tpu.memory_space<semaphore_mem>>)
      %dma_start3A_27 = arith.constant 128 : i32
      %dma_start3A_28 = arith.constant 0 : i32
      %dma_start3A_29 = tpu.memref_slice %arg15[%dma_start3A_27, %dma_start3A_28] : memref<1456x16xf32, #tpu.memory_space<vmem>> -> memref<128x16xf32, #tpu.memory_space<vmem>>
      %dma_start3A_30 = arith.constant 128 : i32
      %dma_start3A_31 = tpu.memref_slice %arg11[%dma_start3A_30] : memref<1456xi32, #tpu.memory_space<vmem>> -> memref<128xi32, #tpu.memory_space<vmem>>
      %dma_start3A_32 = arith.constant 0 : i32
      %dma_start3A_33 = arith.constant 0 : i32
      %dma_start3A_34 = tpu.memref_slice %arg2[%dma_start3A_32, %dma_start3A_33] : memref<1000000x16xf32, #tpu.memory_space<hbm>> -> memref<1000000x16xf32, #tpu.memory_space<hbm>>
      tpu.enqueue_indirect_dma source(%dma_start3A_34 : memref<1000000x16xf32, #tpu.memory_space<hbm>>) target(%dma_start3A_29 : memref<128x16xf32, #tpu.memory_space<vmem>>) offsets(%dma_start3A_31 : memref<128xi32, #tpu.memory_space<vmem>>) semaphore(%arg20 : memref<!tpu.dma_semaphore, #tpu.memory_space<semaphore_mem>>)
      %dma_start3A_35 = arith.constant 256 : i32
      %dma_start3A_36 = arith.constant 0 : i32
      %dma_start3A_37 = tpu.memref_slice %arg15[%dma_start3A_35, %dma_start3A_36] : memref<1456x16xf32, #tpu.memory_space<vmem>> -> memref<128x16xf32, #tpu.memory_space<vmem>>
      %dma_start3A_38 = arith.constant 256 : i32
      %dma_start3A_39 = tpu.memref_slice %arg11[%dma_start3A_38] : memref<1456xi32, #tpu.memory_space<vmem>> -> memref<128xi32, #tpu.memory_space<vmem>>
      %dma_start3A_40 = arith.constant 0 : i32
      %dma_start3A_41 = arith.constant 0 : i32
      %dma_start3A_42 = tpu.memref_slice %arg2[%dma_start3A_40, %dma_start3A_41] : memref<1000000x16xf32, #tpu.memory_space<hbm>> -> memref<1000000x16xf32, #tpu.memory_space<hbm>>
      tpu.enqueue_indirect_dma source(%dma_start3A_42 : memref<1000000x16xf32, #tpu.memory_space<hbm>>) target(%dma_start3A_37 : memref<128x16xf32, #tpu.memory_space<vmem>>) offsets(%dma_start3A_39 : memref<128xi32, #tpu.memory_space<vmem>>) semaphore(%arg20 : memref<!tpu.dma_semaphore, #tpu.memory_space<semaphore_mem>>)
      %dma_start3A_43 = arith.constant 384 : i32
      %dma_start3A_44 = arith.constant 0 : i32
      %dma_start3A_45 = tpu.memref_slice %arg15[%dma_start3A_43, %dma_start3A_44] : memref<1456x16xf32, #tpu.memory_space<vmem>> -> memref<128x16xf32, #tpu.memory_space<vmem>>
      %dma_start3A_46 = arith.constant 384 : i32
      %dma_start3A_47 = tpu.memref_slice %arg11[%dma_start3A_46] : memref<1456xi32, #tpu.memory_space<vmem>> -> memref<128xi32, #tpu.memory_space<vmem>>
      %dma_start3A_48 = arith.constant 0 : i32
      %dma_start3A_49 = arith.constant 0 : i32
      %dma_start3A_50 = tpu.memref_slice %arg2[%dma_start3A_48, %dma_start3A_49] : memref<1000000x16xf32, #tpu.memory_space<hbm>> -> memref<1000000x16xf32, #tpu.memory_space<hbm>>
      tpu.enqueue_indirect_dma source(%dma_start3A_50 : memref<1000000x16xf32, #tpu.memory_space<hbm>>) target(%dma_start3A_45 : memref<128x16xf32, #tpu.memory_space<vmem>>) offsets(%dma_start3A_47 : memref<128xi32, #tpu.memory_space<vmem>>) semaphore(%arg20 : memref<!tpu.dma_semaphore, #tpu.memory_space<semaphore_mem>>)
      %dma_start3A_51 = arith.constant 512 : i32
      %dma_start3A_52 = arith.constant 0 : i32
      %dma_start3A_53 = tpu.memref_slice %arg15[%dma_start3A_51, %dma_start3A_52] : memref<1456x16xf32, #tpu.memory_space<vmem>> -> memref<128x16xf32, #tpu.memory_space<vmem>>
      %dma_start3A_54 = arith.constant 512 : i32
      %dma_start3A_55 = tpu.memref_slice %arg11[%dma_start3A_54] : memref<1456xi32, #tpu.memory_space<vmem>> -> memref<128xi32, #tpu.memory_space<vmem>>
      %dma_start3A_56 = arith.constant 0 : i32
      %dma_start3A_57 = arith.constant 0 : i32
      %dma_start3A_58 = tpu.memref_slice %arg2[%dma_start3A_56, %dma_start3A_57] : memref<1000000x16xf32, #tpu.memory_space<hbm>> -> memref<1000000x16xf32, #tpu.memory_space<hbm>>
      tpu.enqueue_indirect_dma source(%dma_start3A_58 : memref<1000000x16xf32, #tpu.memory_space<hbm>>) target(%dma_start3A_53 : memref<128x16xf32, #tpu.memory_space<vmem>>) offsets(%dma_start3A_55 : memref<128xi32, #tpu.memory_space<vmem>>) semaphore(%arg20 : memref<!tpu.dma_semaphore, #tpu.memory_space<semaphore_mem>>)
      %dma_start3A_59 = arith.constant 640 : i32
      %dma_start3A_60 = arith.constant 0 : i32
      %dma_start3A_61 = tpu.memref_slice %arg15[%dma_start3A_59, %dma_start3A_60] : memref<1456x16xf32, #tpu.memory_space<vmem>> -> memref<128x16xf32, #tpu.memory_space<vmem>>
      %dma_start3A_62 = arith.constant 640 : i32
      %dma_start3A_63 = tpu.memref_slice %arg11[%dma_start3A_62] : memref<1456xi32, #tpu.memory_space<vmem>> -> memref<128xi32, #tpu.memory_space<vmem>>
      %dma_start3A_64 = arith.constant 0 : i32
      %dma_start3A_65 = arith.constant 0 : i32
      %dma_start3A_66 = tpu.memref_slice %arg2[%dma_start3A_64, %dma_start3A_65] : memref<1000000x16xf32, #tpu.memory_space<hbm>> -> memref<1000000x16xf32, #tpu.memory_space<hbm>>
      tpu.enqueue_indirect_dma source(%dma_start3A_66 : memref<1000000x16xf32, #tpu.memory_space<hbm>>) target(%dma_start3A_61 : memref<128x16xf32, #tpu.memory_space<vmem>>) offsets(%dma_start3A_63 : memref<128xi32, #tpu.memory_space<vmem>>) semaphore(%arg20 : memref<!tpu.dma_semaphore, #tpu.memory_space<semaphore_mem>>)
      %dma_start3A_67 = arith.constant 768 : i32
      %dma_start3A_68 = arith.constant 0 : i32
      %dma_start3A_69 = tpu.memref_slice %arg15[%dma_start3A_67, %dma_start3A_68] : memref<1456x16xf32, #tpu.memory_space<vmem>> -> memref<128x16xf32, #tpu.memory_space<vmem>>
      %dma_start3A_70 = arith.constant 768 : i32
      %dma_start3A_71 = tpu.memref_slice %arg11[%dma_start3A_70] : memref<1456xi32, #tpu.memory_space<vmem>> -> memref<128xi32, #tpu.memory_space<vmem>>
      %dma_start3A_72 = arith.constant 0 : i32
      %dma_start3A_73 = arith.constant 0 : i32
      %dma_start3A_74 = tpu.memref_slice %arg2[%dma_start3A_72, %dma_start3A_73] : memref<1000000x16xf32, #tpu.memory_space<hbm>> -> memref<1000000x16xf32, #tpu.memory_space<hbm>>
      tpu.enqueue_indirect_dma source(%dma_start3A_74 : memref<1000000x16xf32, #tpu.memory_space<hbm>>) target(%dma_start3A_69 : memref<128x16xf32, #tpu.memory_space<vmem>>) offsets(%dma_start3A_71 : memref<128xi32, #tpu.memory_space<vmem>>) semaphore(%arg20 : memref<!tpu.dma_semaphore, #tpu.memory_space<semaphore_mem>>)
      %dma_start3A_75 = arith.constant 896 : i32
      %dma_start3A_76 = arith.constant 0 : i32
      %dma_start3A_77 = tpu.memref_slice %arg15[%dma_start3A_75, %dma_start3A_76] : memref<1456x16xf32, #tpu.memory_space<vmem>> -> memref<128x16xf32, #tpu.memory_space<vmem>>
      %dma_start3A_78 = arith.constant 896 : i32
      %dma_start3A_79 = tpu.memref_slice %arg11[%dma_start3A_78] : memref<1456xi32, #tpu.memory_space<vmem>> -> memref<128xi32, #tpu.memory_space<vmem>>
      %dma_start3A_80 = arith.constant 0 : i32
      %dma_start3A_81 = arith.constant 0 : i32
      %dma_start3A_82 = tpu.memref_slice %arg2[%dma_start3A_80, %dma_start3A_81] : memref<1000000x16xf32, #tpu.memory_space<hbm>> -> memref<1000000x16xf32, #tpu.memory_space<hbm>>
      tpu.enqueue_indirect_dma source(%dma_start3A_82 : memref<1000000x16xf32, #tpu.memory_space<hbm>>) target(%dma_start3A_77 : memref<128x16xf32, #tpu.memory_space<vmem>>) offsets(%dma_start3A_79 : memref<128xi32, #tpu.memory_space<vmem>>) semaphore(%arg20 : memref<!tpu.dma_semaphore, #tpu.memory_space<semaphore_mem>>)
      %dma_start3A_83 = arith.constant 1024 : i32
      %dma_start3A_84 = arith.constant 0 : i32
      %dma_start3A_85 = tpu.memref_slice %arg15[%dma_start3A_83, %dma_start3A_84] : memref<1456x16xf32, #tpu.memory_space<vmem>> -> memref<128x16xf32, #tpu.memory_space<vmem>>
      %dma_start3A_86 = arith.constant 1024 : i32
      %dma_start3A_87 = tpu.memref_slice %arg11[%dma_start3A_86] : memref<1456xi32, #tpu.memory_space<vmem>> -> memref<128xi32, #tpu.memory_space<vmem>>
      %dma_start3A_88 = arith.constant 0 : i32
      %dma_start3A_89 = arith.constant 0 : i32
      %dma_start3A_90 = tpu.memref_slice %arg2[%dma_start3A_88, %dma_start3A_89] : memref<1000000x16xf32, #tpu.memory_space<hbm>> -> memref<1000000x16xf32, #tpu.memory_space<hbm>>
      tpu.enqueue_indirect_dma source(%dma_start3A_90 : memref<1000000x16xf32, #tpu.memory_space<hbm>>) target(%dma_start3A_85 : memref<128x16xf32, #tpu.memory_space<vmem>>) offsets(%dma_start3A_87 : memref<128xi32, #tpu.memory_space<vmem>>) semaphore(%arg20 : memref<!tpu.dma_semaphore, #tpu.memory_space<semaphore_mem>>)
      %dma_start3A_91 = arith.constant 1152 : i32
      %dma_start3A_92 = arith.constant 0 : i32
      %dma_start3A_93 = tpu.memref_slice %arg15[%dma_start3A_91, %dma_start3A_92] : memref<1456x16xf32, #tpu.memory_space<vmem>> -> memref<128x16xf32, #tpu.memory_space<vmem>>
      %dma_start3A_94 = arith.constant 1152 : i32
      %dma_start3A_95 = tpu.memref_slice %arg11[%dma_start3A_94] : memref<1456xi32, #tpu.memory_space<vmem>> -> memref<128xi32, #tpu.memory_space<vmem>>
      %dma_start3A_96 = arith.constant 0 : i32
      %dma_start3A_97 = arith.constant 0 : i32
      %dma_start3A_98 = tpu.memref_slice %arg2[%dma_start3A_96, %dma_start3A_97] : memref<1000000x16xf32, #tpu.memory_space<hbm>> -> memref<1000000x16xf32, #tpu.memory_space<hbm>>
      tpu.enqueue_indirect_dma source(%dma_start3A_98 : memref<1000000x16xf32, #tpu.memory_space<hbm>>) target(%dma_start3A_93 : memref<128x16xf32, #tpu.memory_space<vmem>>) offsets(%dma_start3A_95 : memref<128xi32, #tpu.memory_space<vmem>>) semaphore(%arg20 : memref<!tpu.dma_semaphore, #tpu.memory_space<semaphore_mem>>)
      %dma_start3A_99 = arith.constant 1280 : i32
      %dma_start3A_100 = arith.constant 0 : i32
      %dma_start3A_101 = tpu.memref_slice %arg15[%dma_start3A_99, %dma_start3A_100] : memref<1456x16xf32, #tpu.memory_space<vmem>> -> memref<128x16xf32, #tpu.memory_space<vmem>>
      %dma_start3A_102 = arith.constant 1280 : i32
      %dma_start3A_103 = tpu.memref_slice %arg11[%dma_start3A_102] : memref<1456xi32, #tpu.memory_space<vmem>> -> memref<128xi32, #tpu.memory_space<vmem>>
      %dma_start3A_104 = arith.constant 0 : i32
      %dma_start3A_105 = arith.constant 0 : i32
      %dma_start3A_106 = tpu.memref_slice %arg2[%dma_start3A_104, %dma_start3A_105] : memref<1000000x16xf32, #tpu.memory_space<hbm>> -> memref<1000000x16xf32, #tpu.memory_space<hbm>>
      tpu.enqueue_indirect_dma source(%dma_start3A_106 : memref<1000000x16xf32, #tpu.memory_space<hbm>>) target(%dma_start3A_101 : memref<128x16xf32, #tpu.memory_space<vmem>>) offsets(%dma_start3A_103 : memref<128xi32, #tpu.memory_space<vmem>>) semaphore(%arg20 : memref<!tpu.dma_semaphore, #tpu.memory_space<semaphore_mem>>)
      %dma_start3A_107 = arith.constant 1408 : i32
      %dma_start3A_108 = arith.constant 0 : i32
      %dma_start3A_109 = tpu.memref_slice %arg15[%dma_start3A_107, %dma_start3A_108] : memref<1456x16xf32, #tpu.memory_space<vmem>> -> memref<48x16xf32, #tpu.memory_space<vmem>>
      %dma_start3A_110 = arith.constant 1408 : i32
      %dma_start3A_111 = tpu.memref_slice %arg11[%dma_start3A_110] : memref<1456xi32, #tpu.memory_space<vmem>> -> memref<48xi32, #tpu.memory_space<vmem>>
      %dma_start3A_112 = arith.constant 0 : i32
      %dma_start3A_113 = arith.constant 0 : i32
      %dma_start3A_114 = tpu.memref_slice %arg2[%dma_start3A_112, %dma_start3A_113] : memref<1000000x16xf32, #tpu.memory_space<hbm>> -> memref<1000000x16xf32, #tpu.memory_space<hbm>>
      tpu.enqueue_indirect_dma source(%dma_start3A_114 : memref<1000000x16xf32, #tpu.memory_space<hbm>>) target(%dma_start3A_109 : memref<48x16xf32, #tpu.memory_space<vmem>>) offsets(%dma_start3A_111 : memref<48xi32, #tpu.memory_space<vmem>>) semaphore(%arg20 : memref<!tpu.dma_semaphore, #tpu.memory_space<semaphore_mem>>)
      %dma_start3A_115 = arith.constant 0 : i32
      %dma_start3A_116 = arith.constant 0 : i32
      %dma_start3A_117 = tpu.memref_slice %arg16[%dma_start3A_115, %dma_start3A_116] : memref<208x16xf32, #tpu.memory_space<vmem>> -> memref<128x16xf32, #tpu.memory_space<vmem>>
      %dma_start3A_118 = arith.constant 0 : i32
      %dma_start3A_119 = tpu.memref_slice %arg12[%dma_start3A_118] : memref<208xi32, #tpu.memory_space<vmem>> -> memref<128xi32, #tpu.memory_space<vmem>>
      %dma_start3A_120 = arith.constant 0 : i32
      %dma_start3A_121 = arith.constant 0 : i32
      %dma_start3A_122 = tpu.memref_slice %arg3[%dma_start3A_120, %dma_start3A_121] : memref<1000000x16xf32, #tpu.memory_space<hbm>> -> memref<1000000x16xf32, #tpu.memory_space<hbm>>
      tpu.enqueue_indirect_dma source(%dma_start3A_122 : memref<1000000x16xf32, #tpu.memory_space<hbm>>) target(%dma_start3A_117 : memref<128x16xf32, #tpu.memory_space<vmem>>) offsets(%dma_start3A_119 : memref<128xi32, #tpu.memory_space<vmem>>) semaphore(%arg20 : memref<!tpu.dma_semaphore, #tpu.memory_space<semaphore_mem>>)
      %dma_start3A_123 = arith.constant 128 : i32
      %dma_start3A_124 = arith.constant 0 : i32
      %dma_start3A_125 = tpu.memref_slice %arg16[%dma_start3A_123, %dma_start3A_124] : memref<208x16xf32, #tpu.memory_space<vmem>> -> memref<80x16xf32, #tpu.memory_space<vmem>>
      %dma_start3A_126 = arith.constant 128 : i32
      %dma_start3A_127 = tpu.memref_slice %arg12[%dma_start3A_126] : memref<208xi32, #tpu.memory_space<vmem>> -> memref<80xi32, #tpu.memory_space<vmem>>
      %dma_start3A_128 = arith.constant 0 : i32
      %dma_start3A_129 = arith.constant 0 : i32
      %dma_start3A_130 = tpu.memref_slice %arg3[%dma_start3A_128, %dma_start3A_129] : memref<1000000x16xf32, #tpu.memory_space<hbm>> -> memref<1000000x16xf32, #tpu.memory_space<hbm>>
      tpu.enqueue_indirect_dma source(%dma_start3A_130 : memref<1000000x16xf32, #tpu.memory_space<hbm>>) target(%dma_start3A_125 : memref<80x16xf32, #tpu.memory_space<vmem>>) offsets(%dma_start3A_127 : memref<80xi32, #tpu.memory_space<vmem>>) semaphore(%arg20 : memref<!tpu.dma_semaphore, #tpu.memory_space<semaphore_mem>>)
      %dma_wait3A = arith.constant 0 : i32
      %dma_wait3A_131 = arith.constant 0 : i32
      %dma_wait3A_132 = tpu.memref_slice %arg15[%dma_wait3A, %dma_wait3A_131] : memref<1456x16xf32, #tpu.memory_space<vmem>> -> memref<128x16xf32, #tpu.memory_space<vmem>>
      %dma_wait3A_133 = arith.constant 0 : i32
      %dma_wait3A_134 = tpu.memref_slice %arg11[%dma_wait3A_133] : memref<1456xi32, #tpu.memory_space<vmem>> -> memref<128xi32, #tpu.memory_space<vmem>>
      %dma_wait3A_135 = arith.constant 0 : i32
      %dma_wait3A_136 = arith.constant 0 : i32
      %dma_wait3A_137 = tpu.memref_slice %arg2[%dma_wait3A_135, %dma_wait3A_136] : memref<1000000x16xf32, #tpu.memory_space<hbm>> -> memref<1000000x16xf32, #tpu.memory_space<hbm>>
      tpu.wait_indirect_dma semaphore(%arg20 : memref<!tpu.dma_semaphore, #tpu.memory_space<semaphore_mem>>) src(%dma_wait3A_137 : memref<1000000x16xf32, #tpu.memory_space<hbm>>) dst(%dma_wait3A_132 : memref<128x16xf32, #tpu.memory_space<vmem>>)
      %dma_wait3A_138 = arith.constant 128 : i32
      %dma_wait3A_139 = arith.constant 0 : i32
      %dma_wait3A_140 = tpu.memref_slice %arg15[%dma_wait3A_138, %dma_wait3A_139] : memref<1456x16xf32, #tpu.memory_space<vmem>> -> memref<128x16xf32, #tpu.memory_space<vmem>>
      %dma_wait3A_141 = arith.constant 128 : i32
      %dma_wait3A_142 = tpu.memref_slice %arg11[%dma_wait3A_141] : memref<1456xi32, #tpu.memory_space<vmem>> -> memref<128xi32, #tpu.memory_space<vmem>>
      %dma_wait3A_143 = arith.constant 0 : i32
      %dma_wait3A_144 = arith.constant 0 : i32
      %dma_wait3A_145 = tpu.memref_slice %arg2[%dma_wait3A_143, %dma_wait3A_144] : memref<1000000x16xf32, #tpu.memory_space<hbm>> -> memref<1000000x16xf32, #tpu.memory_space<hbm>>
      tpu.wait_indirect_dma semaphore(%arg20 : memref<!tpu.dma_semaphore, #tpu.memory_space<semaphore_mem>>) src(%dma_wait3A_145 : memref<1000000x16xf32, #tpu.memory_space<hbm>>) dst(%dma_wait3A_140 : memref<128x16xf32, #tpu.memory_space<vmem>>)
      %dma_wait3A_146 = arith.constant 256 : i32
      %dma_wait3A_147 = arith.constant 0 : i32
      %dma_wait3A_148 = tpu.memref_slice %arg15[%dma_wait3A_146, %dma_wait3A_147] : memref<1456x16xf32, #tpu.memory_space<vmem>> -> memref<128x16xf32, #tpu.memory_space<vmem>>
      %dma_wait3A_149 = arith.constant 256 : i32
      %dma_wait3A_150 = tpu.memref_slice %arg11[%dma_wait3A_149] : memref<1456xi32, #tpu.memory_space<vmem>> -> memref<128xi32, #tpu.memory_space<vmem>>
      %dma_wait3A_151 = arith.constant 0 : i32
      %dma_wait3A_152 = arith.constant 0 : i32
      %dma_wait3A_153 = tpu.memref_slice %arg2[%dma_wait3A_151, %dma_wait3A_152] : memref<1000000x16xf32, #tpu.memory_space<hbm>> -> memref<1000000x16xf32, #tpu.memory_space<hbm>>
      tpu.wait_indirect_dma semaphore(%arg20 : memref<!tpu.dma_semaphore, #tpu.memory_space<semaphore_mem>>) src(%dma_wait3A_153 : memref<1000000x16xf32, #tpu.memory_space<hbm>>) dst(%dma_wait3A_148 : memref<128x16xf32, #tpu.memory_space<vmem>>)
      %dma_wait3A_154 = arith.constant 384 : i32
      %dma_wait3A_155 = arith.constant 0 : i32
      %dma_wait3A_156 = tpu.memref_slice %arg15[%dma_wait3A_154, %dma_wait3A_155] : memref<1456x16xf32, #tpu.memory_space<vmem>> -> memref<128x16xf32, #tpu.memory_space<vmem>>
      %dma_wait3A_157 = arith.constant 384 : i32
      %dma_wait3A_158 = tpu.memref_slice %arg11[%dma_wait3A_157] : memref<1456xi32, #tpu.memory_space<vmem>> -> memref<128xi32, #tpu.memory_space<vmem>>
      %dma_wait3A_159 = arith.constant 0 : i32
      %dma_wait3A_160 = arith.constant 0 : i32
      %dma_wait3A_161 = tpu.memref_slice %arg2[%dma_wait3A_159, %dma_wait3A_160] : memref<1000000x16xf32, #tpu.memory_space<hbm>> -> memref<1000000x16xf32, #tpu.memory_space<hbm>>
      tpu.wait_indirect_dma semaphore(%arg20 : memref<!tpu.dma_semaphore, #tpu.memory_space<semaphore_mem>>) src(%dma_wait3A_161 : memref<1000000x16xf32, #tpu.memory_space<hbm>>) dst(%dma_wait3A_156 : memref<128x16xf32, #tpu.memory_space<vmem>>)
      %dma_wait3A_162 = arith.constant 512 : i32
      %dma_wait3A_163 = arith.constant 0 : i32
      %dma_wait3A_164 = tpu.memref_slice %arg15[%dma_wait3A_162, %dma_wait3A_163] : memref<1456x16xf32, #tpu.memory_space<vmem>> -> memref<128x16xf32, #tpu.memory_space<vmem>>
      %dma_wait3A_165 = arith.constant 512 : i32
      %dma_wait3A_166 = tpu.memref_slice %arg11[%dma_wait3A_165] : memref<1456xi32, #tpu.memory_space<vmem>> -> memref<128xi32, #tpu.memory_space<vmem>>
      %dma_wait3A_167 = arith.constant 0 : i32
      %dma_wait3A_168 = arith.constant 0 : i32
      %dma_wait3A_169 = tpu.memref_slice %arg2[%dma_wait3A_167, %dma_wait3A_168] : memref<1000000x16xf32, #tpu.memory_space<hbm>> -> memref<1000000x16xf32, #tpu.memory_space<hbm>>
      tpu.wait_indirect_dma semaphore(%arg20 : memref<!tpu.dma_semaphore, #tpu.memory_space<semaphore_mem>>) src(%dma_wait3A_169 : memref<1000000x16xf32, #tpu.memory_space<hbm>>) dst(%dma_wait3A_164 : memref<128x16xf32, #tpu.memory_space<vmem>>)
      %dma_wait3A_170 = arith.constant 640 : i32
      %dma_wait3A_171 = arith.constant 0 : i32
      %dma_wait3A_172 = tpu.memref_slice %arg15[%dma_wait3A_170, %dma_wait3A_171] : memref<1456x16xf32, #tpu.memory_space<vmem>> -> memref<128x16xf32, #tpu.memory_space<vmem>>
      %dma_wait3A_173 = arith.constant 640 : i32
      %dma_wait3A_174 = tpu.memref_slice %arg11[%dma_wait3A_173] : memref<1456xi32, #tpu.memory_space<vmem>> -> memref<128xi32, #tpu.memory_space<vmem>>
      %dma_wait3A_175 = arith.constant 0 : i32
      %dma_wait3A_176 = arith.constant 0 : i32
      %dma_wait3A_177 = tpu.memref_slice %arg2[%dma_wait3A_175, %dma_wait3A_176] : memref<1000000x16xf32, #tpu.memory_space<hbm>> -> memref<1000000x16xf32, #tpu.memory_space<hbm>>
      tpu.wait_indirect_dma semaphore(%arg20 : memref<!tpu.dma_semaphore, #tpu.memory_space<semaphore_mem>>) src(%dma_wait3A_177 : memref<1000000x16xf32, #tpu.memory_space<hbm>>) dst(%dma_wait3A_172 : memref<128x16xf32, #tpu.memory_space<vmem>>)
      %dma_wait3A_178 = arith.constant 768 : i32
      %dma_wait3A_179 = arith.constant 0 : i32
      %dma_wait3A_180 = tpu.memref_slice %arg15[%dma_wait3A_178, %dma_wait3A_179] : memref<1456x16xf32, #tpu.memory_space<vmem>> -> memref<128x16xf32, #tpu.memory_space<vmem>>
      %dma_wait3A_181 = arith.constant 768 : i32
      %dma_wait3A_182 = tpu.memref_slice %arg11[%dma_wait3A_181] : memref<1456xi32, #tpu.memory_space<vmem>> -> memref<128xi32, #tpu.memory_space<vmem>>
      %dma_wait3A_183 = arith.constant 0 : i32
      %dma_wait3A_184 = arith.constant 0 : i32
      %dma_wait3A_185 = tpu.memref_slice %arg2[%dma_wait3A_183, %dma_wait3A_184] : memref<1000000x16xf32, #tpu.memory_space<hbm>> -> memref<1000000x16xf32, #tpu.memory_space<hbm>>
      tpu.wait_indirect_dma semaphore(%arg20 : memref<!tpu.dma_semaphore, #tpu.memory_space<semaphore_mem>>) src(%dma_wait3A_185 : memref<1000000x16xf32, #tpu.memory_space<hbm>>) dst(%dma_wait3A_180 : memref<128x16xf32, #tpu.memory_space<vmem>>)
      %dma_wait3A_186 = arith.constant 896 : i32
      %dma_wait3A_187 = arith.constant 0 : i32
      %dma_wait3A_188 = tpu.memref_slice %arg15[%dma_wait3A_186, %dma_wait3A_187] : memref<1456x16xf32, #tpu.memory_space<vmem>> -> memref<128x16xf32, #tpu.memory_space<vmem>>
      %dma_wait3A_189 = arith.constant 896 : i32
      %dma_wait3A_190 = tpu.memref_slice %arg11[%dma_wait3A_189] : memref<1456xi32, #tpu.memory_space<vmem>> -> memref<128xi32, #tpu.memory_space<vmem>>
      %dma_wait3A_191 = arith.constant 0 : i32
      %dma_wait3A_192 = arith.constant 0 : i32
      %dma_wait3A_193 = tpu.memref_slice %arg2[%dma_wait3A_191, %dma_wait3A_192] : memref<1000000x16xf32, #tpu.memory_space<hbm>> -> memref<1000000x16xf32, #tpu.memory_space<hbm>>
      tpu.wait_indirect_dma semaphore(%arg20 : memref<!tpu.dma_semaphore, #tpu.memory_space<semaphore_mem>>) src(%dma_wait3A_193 : memref<1000000x16xf32, #tpu.memory_space<hbm>>) dst(%dma_wait3A_188 : memref<128x16xf32, #tpu.memory_space<vmem>>)
      %dma_wait3A_194 = arith.constant 1024 : i32
      %dma_wait3A_195 = arith.constant 0 : i32
      %dma_wait3A_196 = tpu.memref_slice %arg15[%dma_wait3A_194, %dma_wait3A_195] : memref<1456x16xf32, #tpu.memory_space<vmem>> -> memref<128x16xf32, #tpu.memory_space<vmem>>
      %dma_wait3A_197 = arith.constant 1024 : i32
      %dma_wait3A_198 = tpu.memref_slice %arg11[%dma_wait3A_197] : memref<1456xi32, #tpu.memory_space<vmem>> -> memref<128xi32, #tpu.memory_space<vmem>>
      %dma_wait3A_199 = arith.constant 0 : i32
      %dma_wait3A_200 = arith.constant 0 : i32
      %dma_wait3A_201 = tpu.memref_slice %arg2[%dma_wait3A_199, %dma_wait3A_200] : memref<1000000x16xf32, #tpu.memory_space<hbm>> -> memref<1000000x16xf32, #tpu.memory_space<hbm>>
      tpu.wait_indirect_dma semaphore(%arg20 : memref<!tpu.dma_semaphore, #tpu.memory_space<semaphore_mem>>) src(%dma_wait3A_201 : memref<1000000x16xf32, #tpu.memory_space<hbm>>) dst(%dma_wait3A_196 : memref<128x16xf32, #tpu.memory_space<vmem>>)
      %dma_wait3A_202 = arith.constant 1152 : i32
      %dma_wait3A_203 = arith.constant 0 : i32
      %dma_wait3A_204 = tpu.memref_slice %arg15[%dma_wait3A_202, %dma_wait3A_203] : memref<1456x16xf32, #tpu.memory_space<vmem>> -> memref<128x16xf32, #tpu.memory_space<vmem>>
      %dma_wait3A_205 = arith.constant 1152 : i32
      %dma_wait3A_206 = tpu.memref_slice %arg11[%dma_wait3A_205] : memref<1456xi32, #tpu.memory_space<vmem>> -> memref<128xi32, #tpu.memory_space<vmem>>
      %dma_wait3A_207 = arith.constant 0 : i32
      %dma_wait3A_208 = arith.constant 0 : i32
      %dma_wait3A_209 = tpu.memref_slice %arg2[%dma_wait3A_207, %dma_wait3A_208] : memref<1000000x16xf32, #tpu.memory_space<hbm>> -> memref<1000000x16xf32, #tpu.memory_space<hbm>>
      tpu.wait_indirect_dma semaphore(%arg20 : memref<!tpu.dma_semaphore, #tpu.memory_space<semaphore_mem>>) src(%dma_wait3A_209 : memref<1000000x16xf32, #tpu.memory_space<hbm>>) dst(%dma_wait3A_204 : memref<128x16xf32, #tpu.memory_space<vmem>>)
      %dma_wait3A_210 = arith.constant 1280 : i32
      %dma_wait3A_211 = arith.constant 0 : i32
      %dma_wait3A_212 = tpu.memref_slice %arg15[%dma_wait3A_210, %dma_wait3A_211] : memref<1456x16xf32, #tpu.memory_space<vmem>> -> memref<128x16xf32, #tpu.memory_space<vmem>>
      %dma_wait3A_213 = arith.constant 1280 : i32
      %dma_wait3A_214 = tpu.memref_slice %arg11[%dma_wait3A_213] : memref<1456xi32, #tpu.memory_space<vmem>> -> memref<128xi32, #tpu.memory_space<vmem>>
      %dma_wait3A_215 = arith.constant 0 : i32
      %dma_wait3A_216 = arith.constant 0 : i32
      %dma_wait3A_217 = tpu.memref_slice %arg2[%dma_wait3A_215, %dma_wait3A_216] : memref<1000000x16xf32, #tpu.memory_space<hbm>> -> memref<1000000x16xf32, #tpu.memory_space<hbm>>
      tpu.wait_indirect_dma semaphore(%arg20 : memref<!tpu.dma_semaphore, #tpu.memory_space<semaphore_mem>>) src(%dma_wait3A_217 : memref<1000000x16xf32, #tpu.memory_space<hbm>>) dst(%dma_wait3A_212 : memref<128x16xf32, #tpu.memory_space<vmem>>)
      %dma_wait3A_218 = arith.constant 1408 : i32
      %dma_wait3A_219 = arith.constant 0 : i32
      %dma_wait3A_220 = tpu.memref_slice %arg15[%dma_wait3A_218, %dma_wait3A_219] : memref<1456x16xf32, #tpu.memory_space<vmem>> -> memref<48x16xf32, #tpu.memory_space<vmem>>
      %dma_wait3A_221 = arith.constant 1408 : i32
      %dma_wait3A_222 = tpu.memref_slice %arg11[%dma_wait3A_221] : memref<1456xi32, #tpu.memory_space<vmem>> -> memref<48xi32, #tpu.memory_space<vmem>>
      %dma_wait3A_223 = arith.constant 0 : i32
      %dma_wait3A_224 = arith.constant 0 : i32
      %dma_wait3A_225 = tpu.memref_slice %arg2[%dma_wait3A_223, %dma_wait3A_224] : memref<1000000x16xf32, #tpu.memory_space<hbm>> -> memref<1000000x16xf32, #tpu.memory_space<hbm>>
      tpu.wait_indirect_dma semaphore(%arg20 : memref<!tpu.dma_semaphore, #tpu.memory_space<semaphore_mem>>) src(%dma_wait3A_225 : memref<1000000x16xf32, #tpu.memory_space<hbm>>) dst(%dma_wait3A_220 : memref<48x16xf32, #tpu.memory_space<vmem>>)
      %dma_wait3A_226 = arith.constant 0 : i32
      %dma_wait3A_227 = arith.constant 0 : i32
      %dma_wait3A_228 = tpu.memref_slice %arg16[%dma_wait3A_226, %dma_wait3A_227] : memref<208x16xf32, #tpu.memory_space<vmem>> -> memref<128x16xf32, #tpu.memory_space<vmem>>
      %dma_wait3A_229 = arith.constant 0 : i32
      %dma_wait3A_230 = tpu.memref_slice %arg12[%dma_wait3A_229] : memref<208xi32, #tpu.memory_space<vmem>> -> memref<128xi32, #tpu.memory_space<vmem>>
      %dma_wait3A_231 = arith.constant 0 : i32
      %dma_wait3A_232 = arith.constant 0 : i32
      %dma_wait3A_233 = tpu.memref_slice %arg3[%dma_wait3A_231, %dma_wait3A_232] : memref<1000000x16xf32, #tpu.memory_space<hbm>> -> memref<1000000x16xf32, #tpu.memory_space<hbm>>
      tpu.wait_indirect_dma semaphore(%arg20 : memref<!tpu.dma_semaphore, #tpu.memory_space<semaphore_mem>>) src(%dma_wait3A_233 : memref<1000000x16xf32, #tpu.memory_space<hbm>>) dst(%dma_wait3A_228 : memref<128x16xf32, #tpu.memory_space<vmem>>)
      %dma_wait3A_234 = arith.constant 128 : i32
      %dma_wait3A_235 = arith.constant 0 : i32
      %dma_wait3A_236 = tpu.memref_slice %arg16[%dma_wait3A_234, %dma_wait3A_235] : memref<208x16xf32, #tpu.memory_space<vmem>> -> memref<80x16xf32, #tpu.memory_space<vmem>>
      %dma_wait3A_237 = arith.constant 128 : i32
      %dma_wait3A_238 = tpu.memref_slice %arg12[%dma_wait3A_237] : memref<208xi32, #tpu.memory_space<vmem>> -> memref<80xi32, #tpu.memory_space<vmem>>
      %dma_wait3A_239 = arith.constant 0 : i32
      %dma_wait3A_240 = arith.constant 0 : i32
      %dma_wait3A_241 = tpu.memref_slice %arg3[%dma_wait3A_239, %dma_wait3A_240] : memref<1000000x16xf32, #tpu.memory_space<hbm>> -> memref<1000000x16xf32, #tpu.memory_space<hbm>>
      tpu.wait_indirect_dma semaphore(%arg20 : memref<!tpu.dma_semaphore, #tpu.memory_space<semaphore_mem>>) src(%dma_wait3A_241 : memref<1000000x16xf32, #tpu.memory_space<hbm>>) dst(%dma_wait3A_236 : memref<80x16xf32, #tpu.memory_space<vmem>>)
      %scan3A_242 = arith.constant 0 : i32
      %scan3A_243 = arith.constant 0 : i32
      %scan3A_244 = arith.constant 8 : i32
      %scan3A_245 = arith.addi %scan3A_243, %scan3A_244 : i32
      %scan3A_246 = arith.constant 1 : i32
      scf.for %scan3A_248 = %scan3A_243 to %scan3A_245 step %scan3A_246  : i32 {
        %broadcast_in_dim3A = arith.constant 0.000000e+00 : f32
        %broadcast_in_dim3A_249 = vector.broadcast %broadcast_in_dim3A : f32 to vector<16xf32>
        %scan3A_250 = arith.constant 0 : i32
        %scan3A_251 = arith.constant 11 : i32
        %scan3A_252 = arith.addi %scan3A_250, %scan3A_251 : i32
        %scan3A_253 = arith.constant 1 : i32
        %scan3A_254 = scf.for %scan3A_794 = %scan3A_250 to %scan3A_252 step %scan3A_253 iter_args(%scan3A_795 = %broadcast_in_dim3A_249) -> (vector<16xf32>)  : i32 {
          %mul3A_796 = arith.constant 182 : i32
          %mul3A_797 = arith.muli %scan3A_248, %mul3A_796 : i32
          %mul3A_798 = arith.constant 16 : i32
          %mul3A_799 = arith.muli %scan3A_794, %mul3A_798 : i32
          %add3A_800 = arith.addi %mul3A_797, %mul3A_799 : i32
          %get3A_801 = arith.index_cast %add3A_800 : i32 to index
          %get3A_802 = tpu.vector_load %arg13[%get3A_801] {strides = array<i32>} : memref<1456xf32, #tpu.memory_space<vmem>>, vector<16xf32>,
          %get3A_803 = vector.shape_cast %get3A_802 : vector<16xf32> to vector<16xf32>
          %add3A_804 = arith.constant 0 : i32
          %add3A_805 = arith.addi %add3A_800, %add3A_804 : i32
          %get3A_806 = arith.index_cast %add3A_805 : i32 to index
          %get3A_807 = arith.constant 0 : index
          %get3A_808 = tpu.vector_load %arg15[%get3A_806, %get3A_807] {strides = array<i32>} : memref<1456x16xf32, #tpu.memory_space<vmem>>, vector<1x16xf32>,
          %get3A_809 = vector.shape_cast %get3A_808 : vector<1x16xf32> to vector<16xf32>
          %mul3A_810 = arith.constant 16 : i32
          %mul3A_811 = arith.muli %scan3A_794, %mul3A_810 : i32
          %add3A_812 = arith.constant 0 : i32
          %add3A_813 = arith.addi %mul3A_811, %add3A_812 : i32
          %mul3A_814 = arith.constant 16 : i32
          %mul3A_815 = arith.muli %add3A_813, %mul3A_814 : i32
          %get3A_816 = arith.index_cast %mul3A_815 : i32 to index
          %get3A_817 = tpu.vector_load %arg17[%get3A_816] {strides = array<i32>} : memref<2912xf32, #tpu.memory_space<vmem>>, vector<16xf32>,
          %get3A_818 = vector.shape_cast %get3A_817 : vector<16xf32> to vector<16xf32>
          %slice3A_819 = vector.extract_strided_slice %get3A_803 {offsets = [0], sizes = [1], strides = [1]} : vector<16xf32> to vector<1xf32>
          %squeeze3A_820 = vector.extract %slice3A_819[0] : f32 from vector<1xf32>
          %mul3A_821 = vector.broadcast %squeeze3A_820 : f32 to vector<16xf32>
          %mul3A_822 = arith.mulf %get3A_818, %mul3A_821 : vector<16xf32>
          %mul3A_823 = arith.mulf %get3A_809, %mul3A_822 : vector<16xf32>
          %add3A_824 = arith.addf %scan3A_795, %mul3A_823 : vector<16xf32>
          %add3A_825 = arith.constant 1 : i32
          %add3A_826 = arith.addi %add3A_800, %add3A_825 : i32
          %get3A_827 = arith.index_cast %add3A_826 : i32 to index
          %get3A_828 = arith.constant 0 : index
          %get3A_829 = tpu.vector_load %arg15[%get3A_827, %get3A_828] {strides = array<i32>} : memref<1456x16xf32, #tpu.memory_space<vmem>>, vector<1x16xf32>,
          %get3A_830 = vector.shape_cast %get3A_829 : vector<1x16xf32> to vector<16xf32>
          %mul3A_831 = arith.constant 16 : i32
          %mul3A_832 = arith.muli %scan3A_794, %mul3A_831 : i32
          %add3A_833 = arith.constant 1 : i32
          %add3A_834 = arith.addi %mul3A_832, %add3A_833 : i32
          %mul3A_835 = arith.constant 16 : i32
          %mul3A_836 = arith.muli %add3A_834, %mul3A_835 : i32
          %get3A_837 = arith.index_cast %mul3A_836 : i32 to index
          %get3A_838 = tpu.vector_load %arg17[%get3A_837] {strides = array<i32>} : memref<2912xf32, #tpu.memory_space<vmem>>, vector<16xf32>,
          %get3A_839 = vector.shape_cast %get3A_838 : vector<16xf32> to vector<16xf32>
          %slice3A_840 = vector.extract_strided_slice %get3A_803 {offsets = [1], sizes = [1], strides = [1]} : vector<16xf32> to vector<1xf32>
          %squeeze3A_841 = vector.extract %slice3A_840[0] : f32 from vector<1xf32>
          %mul3A_842 = vector.broadcast %squeeze3A_841 : f32 to vector<16xf32>
          %mul3A_843 = arith.mulf %get3A_839, %mul3A_842 : vector<16xf32>
          %mul3A_844 = arith.mulf %get3A_830, %mul3A_843 : vector<16xf32>
          %add3A_845 = arith.addf %add3A_824, %mul3A_844 : vector<16xf32>
          %add3A_846 = arith.constant 2 : i32
          %add3A_847 = arith.addi %add3A_800, %add3A_846 : i32
          %get3A_848 = arith.index_cast %add3A_847 : i32 to index
          %get3A_849 = arith.constant 0 : index
          %get3A_850 = tpu.vector_load %arg15[%get3A_848, %get3A_849] {strides = array<i32>} : memref<1456x16xf32, #tpu.memory_space<vmem>>, vector<1x16xf32>,
          %get3A_851 = vector.shape_cast %get3A_850 : vector<1x16xf32> to vector<16xf32>
          %mul3A_852 = arith.constant 16 : i32
          %mul3A_853 = arith.muli %scan3A_794, %mul3A_852 : i32
          %add3A_854 = arith.constant 2 : i32
          %add3A_855 = arith.addi %mul3A_853, %add3A_854 : i32
          %mul3A_856 = arith.constant 16 : i32
          %mul3A_857 = arith.muli %add3A_855, %mul3A_856 : i32
          %get3A_858 = arith.index_cast %mul3A_857 : i32 to index
          %get3A_859 = tpu.vector_load %arg17[%get3A_858] {strides = array<i32>} : memref<2912xf32, #tpu.memory_space<vmem>>, vector<16xf32>,
          %get3A_860 = vector.shape_cast %get3A_859 : vector<16xf32> to vector<16xf32>
          %slice3A_861 = vector.extract_strided_slice %get3A_803 {offsets = [2], sizes = [1], strides = [1]} : vector<16xf32> to vector<1xf32>
          %squeeze3A_862 = vector.extract %slice3A_861[0] : f32 from vector<1xf32>
          %mul3A_863 = vector.broadcast %squeeze3A_862 : f32 to vector<16xf32>
          %mul3A_864 = arith.mulf %get3A_860, %mul3A_863 : vector<16xf32>
          %mul3A_865 = arith.mulf %get3A_851, %mul3A_864 : vector<16xf32>
          %add3A_866 = arith.addf %add3A_845, %mul3A_865 : vector<16xf32>
          %add3A_867 = arith.constant 3 : i32
          %add3A_868 = arith.addi %add3A_800, %add3A_867 : i32
          %get3A_869 = arith.index_cast %add3A_868 : i32 to index
          %get3A_870 = arith.constant 0 : index
          %get3A_871 = tpu.vector_load %arg15[%get3A_869, %get3A_870] {strides = array<i32>} : memref<1456x16xf32, #tpu.memory_space<vmem>>, vector<1x16xf32>,
          %get3A_872 = vector.shape_cast %get3A_871 : vector<1x16xf32> to vector<16xf32>
          %mul3A_873 = arith.constant 16 : i32
          %mul3A_874 = arith.muli %scan3A_794, %mul3A_873 : i32
          %add3A_875 = arith.constant 3 : i32
          %add3A_876 = arith.addi %mul3A_874, %add3A_875 : i32
          %mul3A_877 = arith.constant 16 : i32
          %mul3A_878 = arith.muli %add3A_876, %mul3A_877 : i32
          %get3A_879 = arith.index_cast %mul3A_878 : i32 to index
          %get3A_880 = tpu.vector_load %arg17[%get3A_879] {strides = array<i32>} : memref<2912xf32, #tpu.memory_space<vmem>>, vector<16xf32>,
          %get3A_881 = vector.shape_cast %get3A_880 : vector<16xf32> to vector<16xf32>
          %slice3A_882 = vector.extract_strided_slice %get3A_803 {offsets = [3], sizes = [1], strides = [1]} : vector<16xf32> to vector<1xf32>
          %squeeze3A_883 = vector.extract %slice3A_882[0] : f32 from vector<1xf32>
          %mul3A_884 = vector.broadcast %squeeze3A_883 : f32 to vector<16xf32>
          %mul3A_885 = arith.mulf %get3A_881, %mul3A_884 : vector<16xf32>
          %mul3A_886 = arith.mulf %get3A_872, %mul3A_885 : vector<16xf32>
          %add3A_887 = arith.addf %add3A_866, %mul3A_886 : vector<16xf32>
          %add3A_888 = arith.constant 4 : i32
          %add3A_889 = arith.addi %add3A_800, %add3A_888 : i32
          %get3A_890 = arith.index_cast %add3A_889 : i32 to index
          %get3A_891 = arith.constant 0 : index
          %get3A_892 = tpu.vector_load %arg15[%get3A_890, %get3A_891] {strides = array<i32>} : memref<1456x16xf32, #tpu.memory_space<vmem>>, vector<1x16xf32>,
          %get3A_893 = vector.shape_cast %get3A_892 : vector<1x16xf32> to vector<16xf32>
          %mul3A_894 = arith.constant 16 : i32
          %mul3A_895 = arith.muli %scan3A_794, %mul3A_894 : i32
          %add3A_896 = arith.constant 4 : i32
          %add3A_897 = arith.addi %mul3A_895, %add3A_896 : i32
          %mul3A_898 = arith.constant 16 : i32
          %mul3A_899 = arith.muli %add3A_897, %mul3A_898 : i32
          %get3A_900 = arith.index_cast %mul3A_899 : i32 to index
          %get3A_901 = tpu.vector_load %arg17[%get3A_900] {strides = array<i32>} : memref<2912xf32, #tpu.memory_space<vmem>>, vector<16xf32>,
          %get3A_902 = vector.shape_cast %get3A_901 : vector<16xf32> to vector<16xf32>
          %slice3A_903 = vector.extract_strided_slice %get3A_803 {offsets = [4], sizes = [1], strides = [1]} : vector<16xf32> to vector<1xf32>
          %squeeze3A_904 = vector.extract %slice3A_903[0] : f32 from vector<1xf32>
          %mul3A_905 = vector.broadcast %squeeze3A_904 : f32 to vector<16xf32>
          %mul3A_906 = arith.mulf %get3A_902, %mul3A_905 : vector<16xf32>
          %mul3A_907 = arith.mulf %get3A_893, %mul3A_906 : vector<16xf32>
          %add3A_908 = arith.addf %add3A_887, %mul3A_907 : vector<16xf32>
          %add3A_909 = arith.constant 5 : i32
          %add3A_910 = arith.addi %add3A_800, %add3A_909 : i32
          %get3A_911 = arith.index_cast %add3A_910 : i32 to index
          %get3A_912 = arith.constant 0 : index
          %get3A_913 = tpu.vector_load %arg15[%get3A_911, %get3A_912] {strides = array<i32>} : memref<1456x16xf32, #tpu.memory_space<vmem>>, vector<1x16xf32>,
          %get3A_914 = vector.shape_cast %get3A_913 : vector<1x16xf32> to vector<16xf32>
          %mul3A_915 = arith.constant 16 : i32
          %mul3A_916 = arith.muli %scan3A_794, %mul3A_915 : i32
          %add3A_917 = arith.constant 5 : i32
          %add3A_918 = arith.addi %mul3A_916, %add3A_917 : i32
          %mul3A_919 = arith.constant 16 : i32
          %mul3A_920 = arith.muli %add3A_918, %mul3A_919 : i32
          %get3A_921 = arith.index_cast %mul3A_920 : i32 to index
          %get3A_922 = tpu.vector_load %arg17[%get3A_921] {strides = array<i32>} : memref<2912xf32, #tpu.memory_space<vmem>>, vector<16xf32>,
          %get3A_923 = vector.shape_cast %get3A_922 : vector<16xf32> to vector<16xf32>
          %slice3A_924 = vector.extract_strided_slice %get3A_803 {offsets = [5], sizes = [1], strides = [1]} : vector<16xf32> to vector<1xf32>
          %squeeze3A_925 = vector.extract %slice3A_924[0] : f32 from vector<1xf32>
          %mul3A_926 = vector.broadcast %squeeze3A_925 : f32 to vector<16xf32>
          %mul3A_927 = arith.mulf %get3A_923, %mul3A_926 : vector<16xf32>
          %mul3A_928 = arith.mulf %get3A_914, %mul3A_927 : vector<16xf32>
          %add3A_929 = arith.addf %add3A_908, %mul3A_928 : vector<16xf32>
          %add3A_930 = arith.constant 6 : i32
          %add3A_931 = arith.addi %add3A_800, %add3A_930 : i32
          %get3A_932 = arith.index_cast %add3A_931 : i32 to index
          %get3A_933 = arith.constant 0 : index
          %get3A_934 = tpu.vector_load %arg15[%get3A_932, %get3A_933] {strides = array<i32>} : memref<1456x16xf32, #tpu.memory_space<vmem>>, vector<1x16xf32>,
          %get3A_935 = vector.shape_cast %get3A_934 : vector<1x16xf32> to vector<16xf32>
          %mul3A_936 = arith.constant 16 : i32
          %mul3A_937 = arith.muli %scan3A_794, %mul3A_936 : i32
          %add3A_938 = arith.constant 6 : i32
          %add3A_939 = arith.addi %mul3A_937, %add3A_938 : i32
          %mul3A_940 = arith.constant 16 : i32
          %mul3A_941 = arith.muli %add3A_939, %mul3A_940 : i32
          %get3A_942 = arith.index_cast %mul3A_941 : i32 to index
          %get3A_943 = tpu.vector_load %arg17[%get3A_942] {strides = array<i32>} : memref<2912xf32, #tpu.memory_space<vmem>>, vector<16xf32>,
          %get3A_944 = vector.shape_cast %get3A_943 : vector<16xf32> to vector<16xf32>
          %slice3A_945 = vector.extract_strided_slice %get3A_803 {offsets = [6], sizes = [1], strides = [1]} : vector<16xf32> to vector<1xf32>
          %squeeze3A_946 = vector.extract %slice3A_945[0] : f32 from vector<1xf32>
          %mul3A_947 = vector.broadcast %squeeze3A_946 : f32 to vector<16xf32>
          %mul3A_948 = arith.mulf %get3A_944, %mul3A_947 : vector<16xf32>
          %mul3A_949 = arith.mulf %get3A_935, %mul3A_948 : vector<16xf32>
          %add3A_950 = arith.addf %add3A_929, %mul3A_949 : vector<16xf32>
          %add3A_951 = arith.constant 7 : i32
          %add3A_952 = arith.addi %add3A_800, %add3A_951 : i32
          %get3A_953 = arith.index_cast %add3A_952 : i32 to index
          %get3A_954 = arith.constant 0 : index
          %get3A_955 = tpu.vector_load %arg15[%get3A_953, %get3A_954] {strides = array<i32>} : memref<1456x16xf32, #tpu.memory_space<vmem>>, vector<1x16xf32>,
          %get3A_956 = vector.shape_cast %get3A_955 : vector<1x16xf32> to vector<16xf32>
          %mul3A_957 = arith.constant 16 : i32
          %mul3A_958 = arith.muli %scan3A_794, %mul3A_957 : i32
          %add3A_959 = arith.constant 7 : i32
          %add3A_960 = arith.addi %mul3A_958, %add3A_959 : i32
          %mul3A_961 = arith.constant 16 : i32
          %mul3A_962 = arith.muli %add3A_960, %mul3A_961 : i32
          %get3A_963 = arith.index_cast %mul3A_962 : i32 to index
          %get3A_964 = tpu.vector_load %arg17[%get3A_963] {strides = array<i32>} : memref<2912xf32, #tpu.memory_space<vmem>>, vector<16xf32>,
          %get3A_965 = vector.shape_cast %get3A_964 : vector<16xf32> to vector<16xf32>
          %slice3A_966 = vector.extract_strided_slice %get3A_803 {offsets = [7], sizes = [1], strides = [1]} : vector<16xf32> to vector<1xf32>
          %squeeze3A_967 = vector.extract %slice3A_966[0] : f32 from vector<1xf32>
          %mul3A_968 = vector.broadcast %squeeze3A_967 : f32 to vector<16xf32>
          %mul3A_969 = arith.mulf %get3A_965, %mul3A_968 : vector<16xf32>
          %mul3A_970 = arith.mulf %get3A_956, %mul3A_969 : vector<16xf32>
          %add3A_971 = arith.addf %add3A_950, %mul3A_970 : vector<16xf32>
          %add3A_972 = arith.constant 8 : i32
          %add3A_973 = arith.addi %add3A_800, %add3A_972 : i32
          %get3A_974 = arith.index_cast %add3A_973 : i32 to index
          %get3A_975 = arith.constant 0 : index
          %get3A_976 = tpu.vector_load %arg15[%get3A_974, %get3A_975] {strides = array<i32>} : memref<1456x16xf32, #tpu.memory_space<vmem>>, vector<1x16xf32>,
          %get3A_977 = vector.shape_cast %get3A_976 : vector<1x16xf32> to vector<16xf32>
          %mul3A_978 = arith.constant 16 : i32
          %mul3A_979 = arith.muli %scan3A_794, %mul3A_978 : i32
          %add3A_980 = arith.constant 8 : i32
          %add3A_981 = arith.addi %mul3A_979, %add3A_980 : i32
          %mul3A_982 = arith.constant 16 : i32
          %mul3A_983 = arith.muli %add3A_981, %mul3A_982 : i32
          %get3A_984 = arith.index_cast %mul3A_983 : i32 to index
          %get3A_985 = tpu.vector_load %arg17[%get3A_984] {strides = array<i32>} : memref<2912xf32, #tpu.memory_space<vmem>>, vector<16xf32>,
          %get3A_986 = vector.shape_cast %get3A_985 : vector<16xf32> to vector<16xf32>
          %slice3A_987 = vector.extract_strided_slice %get3A_803 {offsets = [8], sizes = [1], strides = [1]} : vector<16xf32> to vector<1xf32>
          %squeeze3A_988 = vector.extract %slice3A_987[0] : f32 from vector<1xf32>
          %mul3A_989 = vector.broadcast %squeeze3A_988 : f32 to vector<16xf32>
          %mul3A_990 = arith.mulf %get3A_986, %mul3A_989 : vector<16xf32>
          %mul3A_991 = arith.mulf %get3A_977, %mul3A_990 : vector<16xf32>
          %add3A_992 = arith.addf %add3A_971, %mul3A_991 : vector<16xf32>
          %add3A_993 = arith.constant 9 : i32
          %add3A_994 = arith.addi %add3A_800, %add3A_993 : i32
          %get3A_995 = arith.index_cast %add3A_994 : i32 to index
          %get3A_996 = arith.constant 0 : index
          %get3A_997 = tpu.vector_load %arg15[%get3A_995, %get3A_996] {strides = array<i32>} : memref<1456x16xf32, #tpu.memory_space<vmem>>, vector<1x16xf32>,
          %get3A_998 = vector.shape_cast %get3A_997 : vector<1x16xf32> to vector<16xf32>
          %mul3A_999 = arith.constant 16 : i32
          %mul3A_1000 = arith.muli %scan3A_794, %mul3A_999 : i32
          %add3A_1001 = arith.constant 9 : i32
          %add3A_1002 = arith.addi %mul3A_1000, %add3A_1001 : i32
          %mul3A_1003 = arith.constant 16 : i32
          %mul3A_1004 = arith.muli %add3A_1002, %mul3A_1003 : i32
          %get3A_1005 = arith.index_cast %mul3A_1004 : i32 to index
          %get3A_1006 = tpu.vector_load %arg17[%get3A_1005] {strides = array<i32>} : memref<2912xf32, #tpu.memory_space<vmem>>, vector<16xf32>,
          %get3A_1007 = vector.shape_cast %get3A_1006 : vector<16xf32> to vector<16xf32>
          %slice3A_1008 = vector.extract_strided_slice %get3A_803 {offsets = [9], sizes = [1], strides = [1]} : vector<16xf32> to vector<1xf32>
          %squeeze3A_1009 = vector.extract %slice3A_1008[0] : f32 from vector<1xf32>
          %mul3A_1010 = vector.broadcast %squeeze3A_1009 : f32 to vector<16xf32>
          %mul3A_1011 = arith.mulf %get3A_1007, %mul3A_1010 : vector<16xf32>
          %mul3A_1012 = arith.mulf %get3A_998, %mul3A_1011 : vector<16xf32>
          %add3A_1013 = arith.addf %add3A_992, %mul3A_1012 : vector<16xf32>
          %add3A_1014 = arith.constant 10 : i32
          %add3A_1015 = arith.addi %add3A_800, %add3A_1014 : i32
          %get3A_1016 = arith.index_cast %add3A_1015 : i32 to index
          %get3A_1017 = arith.constant 0 : index
          %get3A_1018 = tpu.vector_load %arg15[%get3A_1016, %get3A_1017] {strides = array<i32>} : memref<1456x16xf32, #tpu.memory_space<vmem>>, vector<1x16xf32>,
          %get3A_1019 = vector.shape_cast %get3A_1018 : vector<1x16xf32> to vector<16xf32>
          %mul3A_1020 = arith.constant 16 : i32
          %mul3A_1021 = arith.muli %scan3A_794, %mul3A_1020 : i32
          %add3A_1022 = arith.constant 10 : i32
          %add3A_1023 = arith.addi %mul3A_1021, %add3A_1022 : i32
          %mul3A_1024 = arith.constant 16 : i32
          %mul3A_1025 = arith.muli %add3A_1023, %mul3A_1024 : i32
          %get3A_1026 = arith.index_cast %mul3A_1025 : i32 to index
          %get3A_1027 = tpu.vector_load %arg17[%get3A_1026] {strides = array<i32>} : memref<2912xf32, #tpu.memory_space<vmem>>, vector<16xf32>,
          %get3A_1028 = vector.shape_cast %get3A_1027 : vector<16xf32> to vector<16xf32>
          %slice3A_1029 = vector.extract_strided_slice %get3A_803 {offsets = [10], sizes = [1], strides = [1]} : vector<16xf32> to vector<1xf32>
          %squeeze3A_1030 = vector.extract %slice3A_1029[0] : f32 from vector<1xf32>
          %mul3A_1031 = vector.broadcast %squeeze3A_1030 : f32 to vector<16xf32>
          %mul3A_1032 = arith.mulf %get3A_1028, %mul3A_1031 : vector<16xf32>
          %mul3A_1033 = arith.mulf %get3A_1019, %mul3A_1032 : vector<16xf32>
          %add3A_1034 = arith.addf %add3A_1013, %mul3A_1033 : vector<16xf32>
          %add3A_1035 = arith.constant 11 : i32
          %add3A_1036 = arith.addi %add3A_800, %add3A_1035 : i32
          %get3A_1037 = arith.index_cast %add3A_1036 : i32 to index
          %get3A_1038 = arith.constant 0 : index
          %get3A_1039 = tpu.vector_load %arg15[%get3A_1037, %get3A_1038] {strides = array<i32>} : memref<1456x16xf32, #tpu.memory_space<vmem>>, vector<1x16xf32>,
          %get3A_1040 = vector.shape_cast %get3A_1039 : vector<1x16xf32> to vector<16xf32>
          %mul3A_1041 = arith.constant 16 : i32
          %mul3A_1042 = arith.muli %scan3A_794, %mul3A_1041 : i32
          %add3A_1043 = arith.constant 11 : i32
          %add3A_1044 = arith.addi %mul3A_1042, %add3A_1043 : i32
          %mul3A_1045 = arith.constant 16 : i32
          %mul3A_1046 = arith.muli %add3A_1044, %mul3A_1045 : i32
          %get3A_1047 = arith.index_cast %mul3A_1046 : i32 to index
          %get3A_1048 = tpu.vector_load %arg17[%get3A_1047] {strides = array<i32>} : memref<2912xf32, #tpu.memory_space<vmem>>, vector<16xf32>,
          %get3A_1049 = vector.shape_cast %get3A_1048 : vector<16xf32> to vector<16xf32>
          %slice3A_1050 = vector.extract_strided_slice %get3A_803 {offsets = [11], sizes = [1], strides = [1]} : vector<16xf32> to vector<1xf32>
          %squeeze3A_1051 = vector.extract %slice3A_1050[0] : f32 from vector<1xf32>
          %mul3A_1052 = vector.broadcast %squeeze3A_1051 : f32 to vector<16xf32>
          %mul3A_1053 = arith.mulf %get3A_1049, %mul3A_1052 : vector<16xf32>
          %mul3A_1054 = arith.mulf %get3A_1040, %mul3A_1053 : vector<16xf32>
          %add3A_1055 = arith.addf %add3A_1034, %mul3A_1054 : vector<16xf32>
          %add3A_1056 = arith.constant 12 : i32
          %add3A_1057 = arith.addi %add3A_800, %add3A_1056 : i32
          %get3A_1058 = arith.index_cast %add3A_1057 : i32 to index
          %get3A_1059 = arith.constant 0 : index
          %get3A_1060 = tpu.vector_load %arg15[%get3A_1058, %get3A_1059] {strides = array<i32>} : memref<1456x16xf32, #tpu.memory_space<vmem>>, vector<1x16xf32>,
          %get3A_1061 = vector.shape_cast %get3A_1060 : vector<1x16xf32> to vector<16xf32>
          %mul3A_1062 = arith.constant 16 : i32
          %mul3A_1063 = arith.muli %scan3A_794, %mul3A_1062 : i32
          %add3A_1064 = arith.constant 12 : i32
          %add3A_1065 = arith.addi %mul3A_1063, %add3A_1064 : i32
          %mul3A_1066 = arith.constant 16 : i32
          %mul3A_1067 = arith.muli %add3A_1065, %mul3A_1066 : i32
          %get3A_1068 = arith.index_cast %mul3A_1067 : i32 to index
          %get3A_1069 = tpu.vector_load %arg17[%get3A_1068] {strides = array<i32>} : memref<2912xf32, #tpu.memory_space<vmem>>, vector<16xf32>,
          %get3A_1070 = vector.shape_cast %get3A_1069 : vector<16xf32> to vector<16xf32>
          %slice3A_1071 = vector.extract_strided_slice %get3A_803 {offsets = [12], sizes = [1], strides = [1]} : vector<16xf32> to vector<1xf32>
          %squeeze3A_1072 = vector.extract %slice3A_1071[0] : f32 from vector<1xf32>
          %mul3A_1073 = vector.broadcast %squeeze3A_1072 : f32 to vector<16xf32>
          %mul3A_1074 = arith.mulf %get3A_1070, %mul3A_1073 : vector<16xf32>
          %mul3A_1075 = arith.mulf %get3A_1061, %mul3A_1074 : vector<16xf32>
          %add3A_1076 = arith.addf %add3A_1055, %mul3A_1075 : vector<16xf32>
          %add3A_1077 = arith.constant 13 : i32
          %add3A_1078 = arith.addi %add3A_800, %add3A_1077 : i32
          %get3A_1079 = arith.index_cast %add3A_1078 : i32 to index
          %get3A_1080 = arith.constant 0 : index
          %get3A_1081 = tpu.vector_load %arg15[%get3A_1079, %get3A_1080] {strides = array<i32>} : memref<1456x16xf32, #tpu.memory_space<vmem>>, vector<1x16xf32>,
          %get3A_1082 = vector.shape_cast %get3A_1081 : vector<1x16xf32> to vector<16xf32>
          %mul3A_1083 = arith.constant 16 : i32
          %mul3A_1084 = arith.muli %scan3A_794, %mul3A_1083 : i32
          %add3A_1085 = arith.constant 13 : i32
          %add3A_1086 = arith.addi %mul3A_1084, %add3A_1085 : i32
          %mul3A_1087 = arith.constant 16 : i32
          %mul3A_1088 = arith.muli %add3A_1086, %mul3A_1087 : i32
          %get3A_1089 = arith.index_cast %mul3A_1088 : i32 to index
          %get3A_1090 = tpu.vector_load %arg17[%get3A_1089] {strides = array<i32>} : memref<2912xf32, #tpu.memory_space<vmem>>, vector<16xf32>,
          %get3A_1091 = vector.shape_cast %get3A_1090 : vector<16xf32> to vector<16xf32>
          %slice3A_1092 = vector.extract_strided_slice %get3A_803 {offsets = [13], sizes = [1], strides = [1]} : vector<16xf32> to vector<1xf32>
          %squeeze3A_1093 = vector.extract %slice3A_1092[0] : f32 from vector<1xf32>
          %mul3A_1094 = vector.broadcast %squeeze3A_1093 : f32 to vector<16xf32>
          %mul3A_1095 = arith.mulf %get3A_1091, %mul3A_1094 : vector<16xf32>
          %mul3A_1096 = arith.mulf %get3A_1082, %mul3A_1095 : vector<16xf32>
          %add3A_1097 = arith.addf %add3A_1076, %mul3A_1096 : vector<16xf32>
          %add3A_1098 = arith.constant 14 : i32
          %add3A_1099 = arith.addi %add3A_800, %add3A_1098 : i32
          %get3A_1100 = arith.index_cast %add3A_1099 : i32 to index
          %get3A_1101 = arith.constant 0 : index
          %get3A_1102 = tpu.vector_load %arg15[%get3A_1100, %get3A_1101] {strides = array<i32>} : memref<1456x16xf32, #tpu.memory_space<vmem>>, vector<1x16xf32>,
          %get3A_1103 = vector.shape_cast %get3A_1102 : vector<1x16xf32> to vector<16xf32>
          %mul3A_1104 = arith.constant 16 : i32
          %mul3A_1105 = arith.muli %scan3A_794, %mul3A_1104 : i32
          %add3A_1106 = arith.constant 14 : i32
          %add3A_1107 = arith.addi %mul3A_1105, %add3A_1106 : i32
          %mul3A_1108 = arith.constant 16 : i32
          %mul3A_1109 = arith.muli %add3A_1107, %mul3A_1108 : i32
          %get3A_1110 = arith.index_cast %mul3A_1109 : i32 to index
          %get3A_1111 = tpu.vector_load %arg17[%get3A_1110] {strides = array<i32>} : memref<2912xf32, #tpu.memory_space<vmem>>, vector<16xf32>,
          %get3A_1112 = vector.shape_cast %get3A_1111 : vector<16xf32> to vector<16xf32>
          %slice3A_1113 = vector.extract_strided_slice %get3A_803 {offsets = [14], sizes = [1], strides = [1]} : vector<16xf32> to vector<1xf32>
          %squeeze3A_1114 = vector.extract %slice3A_1113[0] : f32 from vector<1xf32>
          %mul3A_1115 = vector.broadcast %squeeze3A_1114 : f32 to vector<16xf32>
          %mul3A_1116 = arith.mulf %get3A_1112, %mul3A_1115 : vector<16xf32>
          %mul3A_1117 = arith.mulf %get3A_1103, %mul3A_1116 : vector<16xf32>
          %add3A_1118 = arith.addf %add3A_1097, %mul3A_1117 : vector<16xf32>
          %add3A_1119 = arith.constant 15 : i32
          %add3A_1120 = arith.addi %add3A_800, %add3A_1119 : i32
          %get3A_1121 = arith.index_cast %add3A_1120 : i32 to index
          %get3A_1122 = arith.constant 0 : index
          %get3A_1123 = tpu.vector_load %arg15[%get3A_1121, %get3A_1122] {strides = array<i32>} : memref<1456x16xf32, #tpu.memory_space<vmem>>, vector<1x16xf32>,
          %get3A_1124 = vector.shape_cast %get3A_1123 : vector<1x16xf32> to vector<16xf32>
          %mul3A_1125 = arith.constant 16 : i32
          %mul3A_1126 = arith.muli %scan3A_794, %mul3A_1125 : i32
          %add3A_1127 = arith.constant 15 : i32
          %add3A_1128 = arith.addi %mul3A_1126, %add3A_1127 : i32
          %mul3A_1129 = arith.constant 16 : i32
          %mul3A_1130 = arith.muli %add3A_1128, %mul3A_1129 : i32
          %get3A_1131 = arith.index_cast %mul3A_1130 : i32 to index
          %get3A_1132 = tpu.vector_load %arg17[%get3A_1131] {strides = array<i32>} : memref<2912xf32, #tpu.memory_space<vmem>>, vector<16xf32>,
          %get3A_1133 = vector.shape_cast %get3A_1132 : vector<16xf32> to vector<16xf32>
          %slice3A_1134 = vector.extract_strided_slice %get3A_803 {offsets = [15], sizes = [1], strides = [1]} : vector<16xf32> to vector<1xf32>
          %squeeze3A_1135 = vector.extract %slice3A_1134[0] : f32 from vector<1xf32>
          %mul3A_1136 = vector.broadcast %squeeze3A_1135 : f32 to vector<16xf32>
          %mul3A_1137 = arith.mulf %get3A_1133, %mul3A_1136 : vector<16xf32>
          %mul3A_1138 = arith.mulf %get3A_1124, %mul3A_1137 : vector<16xf32>
          %add3A_1139 = arith.addf %add3A_1118, %mul3A_1138 : vector<16xf32>
          scf.yield %add3A_1139 : vector<16xf32>
        }
        %scan3A_255 = arith.constant 11 : i32
        %mul3A_256 = arith.constant 182 : i32
        %mul3A_257 = arith.muli %scan3A_248, %mul3A_256 : i32
        %add3A_258 = arith.constant 182 : i32
        %add3A_259 = arith.addi %mul3A_257, %add3A_258 : i32
        %sub3A = arith.constant 16 : i32
        %sub3A_260 = arith.subi %add3A_259, %sub3A : i32
        %get3A = arith.index_cast %sub3A_260 : i32 to index
        %get3A_261 = tpu.vector_load %arg13[%get3A] {strides = array<i32>} : memref<1456xf32, #tpu.memory_space<vmem>>, vector<16xf32>,
        %get3A_262 = vector.shape_cast %get3A_261 : vector<16xf32> to vector<16xf32>
        %mul3A_263 = arith.constant 182 : i32
        %mul3A_264 = arith.muli %scan3A_248, %mul3A_263 : i32
        %add3A_265 = arith.constant 176 : i32
        %add3A_266 = arith.addi %mul3A_264, %add3A_265 : i32
        %get3A_267 = arith.index_cast %add3A_266 : i32 to index
        %get3A_268 = arith.constant 0 : index
        %get3A_269 = tpu.vector_load %arg15[%get3A_267, %get3A_268] {strides = array<i32>} : memref<1456x16xf32, #tpu.memory_space<vmem>>, vector<1x16xf32>,
        %get3A_270 = vector.shape_cast %get3A_269 : vector<1x16xf32> to vector<16xf32>
        %get3A_271 = arith.constant 2816 : index
        %get3A_272 = tpu.vector_load %arg17[%get3A_271] {strides = array<i32>} : memref<2912xf32, #tpu.memory_space<vmem>>, vector<16xf32>,
        %get3A_273 = vector.shape_cast %get3A_272 : vector<16xf32> to vector<16xf32>
        %slice3A = vector.extract_strided_slice %get3A_262 {offsets = [10], sizes = [1], strides = [1]} : vector<16xf32> to vector<1xf32>
        %squeeze3A = vector.extract %slice3A[0] : f32 from vector<1xf32>
        %mul3A_274 = vector.broadcast %squeeze3A : f32 to vector<16xf32>
        %mul3A_275 = arith.mulf %get3A_273, %mul3A_274 : vector<16xf32>
        %mul3A_276 = arith.mulf %get3A_270, %mul3A_275 : vector<16xf32>
        %add3A_277 = arith.addf %scan3A_254, %mul3A_276 : vector<16xf32>
        %mul3A_278 = arith.constant 182 : i32
        %mul3A_279 = arith.muli %scan3A_248, %mul3A_278 : i32
        %add3A_280 = arith.constant 177 : i32
        %add3A_281 = arith.addi %mul3A_279, %add3A_280 : i32
        %get3A_282 = arith.index_cast %add3A_281 : i32 to index
        %get3A_283 = arith.constant 0 : index
        %get3A_284 = tpu.vector_load %arg15[%get3A_282, %get3A_283] {strides = array<i32>} : memref<1456x16xf32, #tpu.memory_space<vmem>>, vector<1x16xf32>,
        %get3A_285 = vector.shape_cast %get3A_284 : vector<1x16xf32> to vector<16xf32>
        %get3A_286 = arith.constant 2832 : index
        %get3A_287 = tpu.vector_load %arg17[%get3A_286] {strides = array<i32>} : memref<2912xf32, #tpu.memory_space<vmem>>, vector<16xf32>,
        %get3A_288 = vector.shape_cast %get3A_287 : vector<16xf32> to vector<16xf32>
        %slice3A_289 = vector.extract_strided_slice %get3A_262 {offsets = [11], sizes = [1], strides = [1]} : vector<16xf32> to vector<1xf32>
        %squeeze3A_290 = vector.extract %slice3A_289[0] : f32 from vector<1xf32>
        %mul3A_291 = vector.broadcast %squeeze3A_290 : f32 to vector<16xf32>
        %mul3A_292 = arith.mulf %get3A_288, %mul3A_291 : vector<16xf32>
        %mul3A_293 = arith.mulf %get3A_285, %mul3A_292 : vector<16xf32>
        %add3A_294 = arith.addf %add3A_277, %mul3A_293 : vector<16xf32>
        %mul3A_295 = arith.constant 182 : i32
        %mul3A_296 = arith.muli %scan3A_248, %mul3A_295 : i32
        %add3A_297 = arith.constant 178 : i32
        %add3A_298 = arith.addi %mul3A_296, %add3A_297 : i32
        %get3A_299 = arith.index_cast %add3A_298 : i32 to index
        %get3A_300 = arith.constant 0 : index
        %get3A_301 = tpu.vector_load %arg15[%get3A_299, %get3A_300] {strides = array<i32>} : memref<1456x16xf32, #tpu.memory_space<vmem>>, vector<1x16xf32>,
        %get3A_302 = vector.shape_cast %get3A_301 : vector<1x16xf32> to vector<16xf32>
        %get3A_303 = arith.constant 2848 : index
        %get3A_304 = tpu.vector_load %arg17[%get3A_303] {strides = array<i32>} : memref<2912xf32, #tpu.memory_space<vmem>>, vector<16xf32>,
        %get3A_305 = vector.shape_cast %get3A_304 : vector<16xf32> to vector<16xf32>
        %slice3A_306 = vector.extract_strided_slice %get3A_262 {offsets = [12], sizes = [1], strides = [1]} : vector<16xf32> to vector<1xf32>
        %squeeze3A_307 = vector.extract %slice3A_306[0] : f32 from vector<1xf32>
        %mul3A_308 = vector.broadcast %squeeze3A_307 : f32 to vector<16xf32>
        %mul3A_309 = arith.mulf %get3A_305, %mul3A_308 : vector<16xf32>
        %mul3A_310 = arith.mulf %get3A_302, %mul3A_309 : vector<16xf32>
        %add3A_311 = arith.addf %add3A_294, %mul3A_310 : vector<16xf32>
        %mul3A_312 = arith.constant 182 : i32
        %mul3A_313 = arith.muli %scan3A_248, %mul3A_312 : i32
        %add3A_314 = arith.constant 179 : i32
        %add3A_315 = arith.addi %mul3A_313, %add3A_314 : i32
        %get3A_316 = arith.index_cast %add3A_315 : i32 to index
        %get3A_317 = arith.constant 0 : index
        %get3A_318 = tpu.vector_load %arg15[%get3A_316, %get3A_317] {strides = array<i32>} : memref<1456x16xf32, #tpu.memory_space<vmem>>, vector<1x16xf32>,
        %get3A_319 = vector.shape_cast %get3A_318 : vector<1x16xf32> to vector<16xf32>
        %get3A_320 = arith.constant 2864 : index
        %get3A_321 = tpu.vector_load %arg17[%get3A_320] {strides = array<i32>} : memref<2912xf32, #tpu.memory_space<vmem>>, vector<16xf32>,
        %get3A_322 = vector.shape_cast %get3A_321 : vector<16xf32> to vector<16xf32>
        %slice3A_323 = vector.extract_strided_slice %get3A_262 {offsets = [13], sizes = [1], strides = [1]} : vector<16xf32> to vector<1xf32>
        %squeeze3A_324 = vector.extract %slice3A_323[0] : f32 from vector<1xf32>
        %mul3A_325 = vector.broadcast %squeeze3A_324 : f32 to vector<16xf32>
        %mul3A_326 = arith.mulf %get3A_322, %mul3A_325 : vector<16xf32>
        %mul3A_327 = arith.mulf %get3A_319, %mul3A_326 : vector<16xf32>
        %add3A_328 = arith.addf %add3A_311, %mul3A_327 : vector<16xf32>
        %mul3A_329 = arith.constant 182 : i32
        %mul3A_330 = arith.muli %scan3A_248, %mul3A_329 : i32
        %add3A_331 = arith.constant 180 : i32
        %add3A_332 = arith.addi %mul3A_330, %add3A_331 : i32
        %get3A_333 = arith.index_cast %add3A_332 : i32 to index
        %get3A_334 = arith.constant 0 : index
        %get3A_335 = tpu.vector_load %arg15[%get3A_333, %get3A_334] {strides = array<i32>} : memref<1456x16xf32, #tpu.memory_space<vmem>>, vector<1x16xf32>,
        %get3A_336 = vector.shape_cast %get3A_335 : vector<1x16xf32> to vector<16xf32>
        %get3A_337 = arith.constant 2880 : index
        %get3A_338 = tpu.vector_load %arg17[%get3A_337] {strides = array<i32>} : memref<2912xf32, #tpu.memory_space<vmem>>, vector<16xf32>,
        %get3A_339 = vector.shape_cast %get3A_338 : vector<16xf32> to vector<16xf32>
        %slice3A_340 = vector.extract_strided_slice %get3A_262 {offsets = [14], sizes = [1], strides = [1]} : vector<16xf32> to vector<1xf32>
        %squeeze3A_341 = vector.extract %slice3A_340[0] : f32 from vector<1xf32>
        %mul3A_342 = vector.broadcast %squeeze3A_341 : f32 to vector<16xf32>
        %mul3A_343 = arith.mulf %get3A_339, %mul3A_342 : vector<16xf32>
        %mul3A_344 = arith.mulf %get3A_336, %mul3A_343 : vector<16xf32>
        %add3A_345 = arith.addf %add3A_328, %mul3A_344 : vector<16xf32>
        %mul3A_346 = arith.constant 182 : i32
        %mul3A_347 = arith.muli %scan3A_248, %mul3A_346 : i32
        %add3A_348 = arith.constant 181 : i32
        %add3A_349 = arith.addi %mul3A_347, %add3A_348 : i32
        %get3A_350 = arith.index_cast %add3A_349 : i32 to index
        %get3A_351 = arith.constant 0 : index
        %get3A_352 = tpu.vector_load %arg15[%get3A_350, %get3A_351] {strides = array<i32>} : memref<1456x16xf32, #tpu.memory_space<vmem>>, vector<1x16xf32>,
        %get3A_353 = vector.shape_cast %get3A_352 : vector<1x16xf32> to vector<16xf32>
        %get3A_354 = arith.constant 2896 : index
        %get3A_355 = tpu.vector_load %arg17[%get3A_354] {strides = array<i32>} : memref<2912xf32, #tpu.memory_space<vmem>>, vector<16xf32>,
        %get3A_356 = vector.shape_cast %get3A_355 : vector<16xf32> to vector<16xf32>
        %slice3A_357 = vector.extract_strided_slice %get3A_262 {offsets = [15], sizes = [1], strides = [1]} : vector<16xf32> to vector<1xf32>
        %squeeze3A_358 = vector.extract %slice3A_357[0] : f32 from vector<1xf32>
        %mul3A_359 = vector.broadcast %squeeze3A_358 : f32 to vector<16xf32>
        %mul3A_360 = arith.mulf %get3A_356, %mul3A_359 : vector<16xf32>
        %mul3A_361 = arith.mulf %get3A_353, %mul3A_360 : vector<16xf32>
        %add3A_362 = arith.addf %add3A_345, %mul3A_361 : vector<16xf32>
        %mul3A_363 = arith.constant 26 : i32
        %mul3A_364 = arith.muli %scan3A_248, %mul3A_363 : i32
        %get3A_365 = arith.index_cast %mul3A_364 : i32 to index
        %get3A_366 = tpu.vector_load %arg14[%get3A_365] {strides = array<i32>} : memref<208xf32, #tpu.memory_space<vmem>>, vector<16xf32>,
        %get3A_367 = vector.shape_cast %get3A_366 : vector<16xf32> to vector<16xf32>
        %add3A_368 = arith.constant 0 : i32
        %add3A_369 = arith.addi %mul3A_364, %add3A_368 : i32
        %get3A_370 = arith.index_cast %add3A_369 : i32 to index
        %get3A_371 = arith.constant 0 : index
        %get3A_372 = tpu.vector_load %arg16[%get3A_370, %get3A_371] {strides = array<i32>} : memref<208x16xf32, #tpu.memory_space<vmem>>, vector<1x16xf32>,
        %get3A_373 = vector.shape_cast %get3A_372 : vector<1x16xf32> to vector<16xf32>
        %get3A_374 = arith.constant 0 : index
        %get3A_375 = tpu.vector_load %arg18[%get3A_374] {strides = array<i32>} : memref<416xf32, #tpu.memory_space<vmem>>, vector<16xf32>,
        %get3A_376 = vector.shape_cast %get3A_375 : vector<16xf32> to vector<16xf32>
        %slice3A_377 = vector.extract_strided_slice %get3A_367 {offsets = [0], sizes = [1], strides = [1]} : vector<16xf32> to vector<1xf32>
        %squeeze3A_378 = vector.extract %slice3A_377[0] : f32 from vector<1xf32>
        %mul3A_379 = vector.broadcast %squeeze3A_378 : f32 to vector<16xf32>
        %mul3A_380 = arith.mulf %get3A_376, %mul3A_379 : vector<16xf32>
        %mul3A_381 = arith.mulf %get3A_373, %mul3A_380 : vector<16xf32>
        %add3A_382 = arith.addf %add3A_362, %mul3A_381 : vector<16xf32>
        %add3A_383 = arith.constant 1 : i32
        %add3A_384 = arith.addi %mul3A_364, %add3A_383 : i32
        %get3A_385 = arith.index_cast %add3A_384 : i32 to index
        %get3A_386 = arith.constant 0 : index
        %get3A_387 = tpu.vector_load %arg16[%get3A_385, %get3A_386] {strides = array<i32>} : memref<208x16xf32, #tpu.memory_space<vmem>>, vector<1x16xf32>,
        %get3A_388 = vector.shape_cast %get3A_387 : vector<1x16xf32> to vector<16xf32>
        %get3A_389 = arith.constant 16 : index
        %get3A_390 = tpu.vector_load %arg18[%get3A_389] {strides = array<i32>} : memref<416xf32, #tpu.memory_space<vmem>>, vector<16xf32>,
        %get3A_391 = vector.shape_cast %get3A_390 : vector<16xf32> to vector<16xf32>
        %slice3A_392 = vector.extract_strided_slice %get3A_367 {offsets = [1], sizes = [1], strides = [1]} : vector<16xf32> to vector<1xf32>
        %squeeze3A_393 = vector.extract %slice3A_392[0] : f32 from vector<1xf32>
        %mul3A_394 = vector.broadcast %squeeze3A_393 : f32 to vector<16xf32>
        %mul3A_395 = arith.mulf %get3A_391, %mul3A_394 : vector<16xf32>
        %mul3A_396 = arith.mulf %get3A_388, %mul3A_395 : vector<16xf32>
        %add3A_397 = arith.addf %add3A_382, %mul3A_396 : vector<16xf32>
        %add3A_398 = arith.constant 2 : i32
        %add3A_399 = arith.addi %mul3A_364, %add3A_398 : i32
        %get3A_400 = arith.index_cast %add3A_399 : i32 to index
        %get3A_401 = arith.constant 0 : index
        %get3A_402 = tpu.vector_load %arg16[%get3A_400, %get3A_401] {strides = array<i32>} : memref<208x16xf32, #tpu.memory_space<vmem>>, vector<1x16xf32>,
        %get3A_403 = vector.shape_cast %get3A_402 : vector<1x16xf32> to vector<16xf32>
        %get3A_404 = arith.constant 32 : index
        %get3A_405 = tpu.vector_load %arg18[%get3A_404] {strides = array<i32>} : memref<416xf32, #tpu.memory_space<vmem>>, vector<16xf32>,
        %get3A_406 = vector.shape_cast %get3A_405 : vector<16xf32> to vector<16xf32>
        %slice3A_407 = vector.extract_strided_slice %get3A_367 {offsets = [2], sizes = [1], strides = [1]} : vector<16xf32> to vector<1xf32>
        %squeeze3A_408 = vector.extract %slice3A_407[0] : f32 from vector<1xf32>
        %mul3A_409 = vector.broadcast %squeeze3A_408 : f32 to vector<16xf32>
        %mul3A_410 = arith.mulf %get3A_406, %mul3A_409 : vector<16xf32>
        %mul3A_411 = arith.mulf %get3A_403, %mul3A_410 : vector<16xf32>
        %add3A_412 = arith.addf %add3A_397, %mul3A_411 : vector<16xf32>
        %add3A_413 = arith.constant 3 : i32
        %add3A_414 = arith.addi %mul3A_364, %add3A_413 : i32
        %get3A_415 = arith.index_cast %add3A_414 : i32 to index
        %get3A_416 = arith.constant 0 : index
        %get3A_417 = tpu.vector_load %arg16[%get3A_415, %get3A_416] {strides = array<i32>} : memref<208x16xf32, #tpu.memory_space<vmem>>, vector<1x16xf32>,
        %get3A_418 = vector.shape_cast %get3A_417 : vector<1x16xf32> to vector<16xf32>
        %get3A_419 = arith.constant 48 : index
        %get3A_420 = tpu.vector_load %arg18[%get3A_419] {strides = array<i32>} : memref<416xf32, #tpu.memory_space<vmem>>, vector<16xf32>,
        %get3A_421 = vector.shape_cast %get3A_420 : vector<16xf32> to vector<16xf32>
        %slice3A_422 = vector.extract_strided_slice %get3A_367 {offsets = [3], sizes = [1], strides = [1]} : vector<16xf32> to vector<1xf32>
        %squeeze3A_423 = vector.extract %slice3A_422[0] : f32 from vector<1xf32>
        %mul3A_424 = vector.broadcast %squeeze3A_423 : f32 to vector<16xf32>
        %mul3A_425 = arith.mulf %get3A_421, %mul3A_424 : vector<16xf32>
        %mul3A_426 = arith.mulf %get3A_418, %mul3A_425 : vector<16xf32>
        %add3A_427 = arith.addf %add3A_412, %mul3A_426 : vector<16xf32>
        %add3A_428 = arith.constant 4 : i32
        %add3A_429 = arith.addi %mul3A_364, %add3A_428 : i32
        %get3A_430 = arith.index_cast %add3A_429 : i32 to index
        %get3A_431 = arith.constant 0 : index
        %get3A_432 = tpu.vector_load %arg16[%get3A_430, %get3A_431] {strides = array<i32>} : memref<208x16xf32, #tpu.memory_space<vmem>>, vector<1x16xf32>,
        %get3A_433 = vector.shape_cast %get3A_432 : vector<1x16xf32> to vector<16xf32>
        %get3A_434 = arith.constant 64 : index
        %get3A_435 = tpu.vector_load %arg18[%get3A_434] {strides = array<i32>} : memref<416xf32, #tpu.memory_space<vmem>>, vector<16xf32>,
        %get3A_436 = vector.shape_cast %get3A_435 : vector<16xf32> to vector<16xf32>
        %slice3A_437 = vector.extract_strided_slice %get3A_367 {offsets = [4], sizes = [1], strides = [1]} : vector<16xf32> to vector<1xf32>
        %squeeze3A_438 = vector.extract %slice3A_437[0] : f32 from vector<1xf32>
        %mul3A_439 = vector.broadcast %squeeze3A_438 : f32 to vector<16xf32>
        %mul3A_440 = arith.mulf %get3A_436, %mul3A_439 : vector<16xf32>
        %mul3A_441 = arith.mulf %get3A_433, %mul3A_440 : vector<16xf32>
        %add3A_442 = arith.addf %add3A_427, %mul3A_441 : vector<16xf32>
        %add3A_443 = arith.constant 5 : i32
        %add3A_444 = arith.addi %mul3A_364, %add3A_443 : i32
        %get3A_445 = arith.index_cast %add3A_444 : i32 to index
        %get3A_446 = arith.constant 0 : index
        %get3A_447 = tpu.vector_load %arg16[%get3A_445, %get3A_446] {strides = array<i32>} : memref<208x16xf32, #tpu.memory_space<vmem>>, vector<1x16xf32>,
        %get3A_448 = vector.shape_cast %get3A_447 : vector<1x16xf32> to vector<16xf32>
        %get3A_449 = arith.constant 80 : index
        %get3A_450 = tpu.vector_load %arg18[%get3A_449] {strides = array<i32>} : memref<416xf32, #tpu.memory_space<vmem>>, vector<16xf32>,
        %get3A_451 = vector.shape_cast %get3A_450 : vector<16xf32> to vector<16xf32>
        %slice3A_452 = vector.extract_strided_slice %get3A_367 {offsets = [5], sizes = [1], strides = [1]} : vector<16xf32> to vector<1xf32>
        %squeeze3A_453 = vector.extract %slice3A_452[0] : f32 from vector<1xf32>
        %mul3A_454 = vector.broadcast %squeeze3A_453 : f32 to vector<16xf32>
        %mul3A_455 = arith.mulf %get3A_451, %mul3A_454 : vector<16xf32>
        %mul3A_456 = arith.mulf %get3A_448, %mul3A_455 : vector<16xf32>
        %add3A_457 = arith.addf %add3A_442, %mul3A_456 : vector<16xf32>
        %add3A_458 = arith.constant 6 : i32
        %add3A_459 = arith.addi %mul3A_364, %add3A_458 : i32
        %get3A_460 = arith.index_cast %add3A_459 : i32 to index
        %get3A_461 = arith.constant 0 : index
        %get3A_462 = tpu.vector_load %arg16[%get3A_460, %get3A_461] {strides = array<i32>} : memref<208x16xf32, #tpu.memory_space<vmem>>, vector<1x16xf32>,
        %get3A_463 = vector.shape_cast %get3A_462 : vector<1x16xf32> to vector<16xf32>
        %get3A_464 = arith.constant 96 : index
        %get3A_465 = tpu.vector_load %arg18[%get3A_464] {strides = array<i32>} : memref<416xf32, #tpu.memory_space<vmem>>, vector<16xf32>,
        %get3A_466 = vector.shape_cast %get3A_465 : vector<16xf32> to vector<16xf32>
        %slice3A_467 = vector.extract_strided_slice %get3A_367 {offsets = [6], sizes = [1], strides = [1]} : vector<16xf32> to vector<1xf32>
        %squeeze3A_468 = vector.extract %slice3A_467[0] : f32 from vector<1xf32>
        %mul3A_469 = vector.broadcast %squeeze3A_468 : f32 to vector<16xf32>
        %mul3A_470 = arith.mulf %get3A_466, %mul3A_469 : vector<16xf32>
        %mul3A_471 = arith.mulf %get3A_463, %mul3A_470 : vector<16xf32>
        %add3A_472 = arith.addf %add3A_457, %mul3A_471 : vector<16xf32>
        %add3A_473 = arith.constant 7 : i32
        %add3A_474 = arith.addi %mul3A_364, %add3A_473 : i32
        %get3A_475 = arith.index_cast %add3A_474 : i32 to index
        %get3A_476 = arith.constant 0 : index
        %get3A_477 = tpu.vector_load %arg16[%get3A_475, %get3A_476] {strides = array<i32>} : memref<208x16xf32, #tpu.memory_space<vmem>>, vector<1x16xf32>,
        %get3A_478 = vector.shape_cast %get3A_477 : vector<1x16xf32> to vector<16xf32>
        %get3A_479 = arith.constant 112 : index
        %get3A_480 = tpu.vector_load %arg18[%get3A_479] {strides = array<i32>} : memref<416xf32, #tpu.memory_space<vmem>>, vector<16xf32>,
        %get3A_481 = vector.shape_cast %get3A_480 : vector<16xf32> to vector<16xf32>
        %slice3A_482 = vector.extract_strided_slice %get3A_367 {offsets = [7], sizes = [1], strides = [1]} : vector<16xf32> to vector<1xf32>
        %squeeze3A_483 = vector.extract %slice3A_482[0] : f32 from vector<1xf32>
        %mul3A_484 = vector.broadcast %squeeze3A_483 : f32 to vector<16xf32>
        %mul3A_485 = arith.mulf %get3A_481, %mul3A_484 : vector<16xf32>
        %mul3A_486 = arith.mulf %get3A_478, %mul3A_485 : vector<16xf32>
        %add3A_487 = arith.addf %add3A_472, %mul3A_486 : vector<16xf32>
        %add3A_488 = arith.constant 8 : i32
        %add3A_489 = arith.addi %mul3A_364, %add3A_488 : i32
        %get3A_490 = arith.index_cast %add3A_489 : i32 to index
        %get3A_491 = arith.constant 0 : index
        %get3A_492 = tpu.vector_load %arg16[%get3A_490, %get3A_491] {strides = array<i32>} : memref<208x16xf32, #tpu.memory_space<vmem>>, vector<1x16xf32>,
        %get3A_493 = vector.shape_cast %get3A_492 : vector<1x16xf32> to vector<16xf32>
        %get3A_494 = arith.constant 128 : index
        %get3A_495 = tpu.vector_load %arg18[%get3A_494] {strides = array<i32>} : memref<416xf32, #tpu.memory_space<vmem>>, vector<16xf32>,
        %get3A_496 = vector.shape_cast %get3A_495 : vector<16xf32> to vector<16xf32>
        %slice3A_497 = vector.extract_strided_slice %get3A_367 {offsets = [8], sizes = [1], strides = [1]} : vector<16xf32> to vector<1xf32>
        %squeeze3A_498 = vector.extract %slice3A_497[0] : f32 from vector<1xf32>
        %mul3A_499 = vector.broadcast %squeeze3A_498 : f32 to vector<16xf32>
        %mul3A_500 = arith.mulf %get3A_496, %mul3A_499 : vector<16xf32>
        %mul3A_501 = arith.mulf %get3A_493, %mul3A_500 : vector<16xf32>
        %add3A_502 = arith.addf %add3A_487, %mul3A_501 : vector<16xf32>
        %add3A_503 = arith.constant 9 : i32
        %add3A_504 = arith.addi %mul3A_364, %add3A_503 : i32
        %get3A_505 = arith.index_cast %add3A_504 : i32 to index
        %get3A_506 = arith.constant 0 : index
        %get3A_507 = tpu.vector_load %arg16[%get3A_505, %get3A_506] {strides = array<i32>} : memref<208x16xf32, #tpu.memory_space<vmem>>, vector<1x16xf32>,
        %get3A_508 = vector.shape_cast %get3A_507 : vector<1x16xf32> to vector<16xf32>
        %get3A_509 = arith.constant 144 : index
        %get3A_510 = tpu.vector_load %arg18[%get3A_509] {strides = array<i32>} : memref<416xf32, #tpu.memory_space<vmem>>, vector<16xf32>,
        %get3A_511 = vector.shape_cast %get3A_510 : vector<16xf32> to vector<16xf32>
        %slice3A_512 = vector.extract_strided_slice %get3A_367 {offsets = [9], sizes = [1], strides = [1]} : vector<16xf32> to vector<1xf32>
        %squeeze3A_513 = vector.extract %slice3A_512[0] : f32 from vector<1xf32>
        %mul3A_514 = vector.broadcast %squeeze3A_513 : f32 to vector<16xf32>
        %mul3A_515 = arith.mulf %get3A_511, %mul3A_514 : vector<16xf32>
        %mul3A_516 = arith.mulf %get3A_508, %mul3A_515 : vector<16xf32>
        %add3A_517 = arith.addf %add3A_502, %mul3A_516 : vector<16xf32>
        %add3A_518 = arith.constant 10 : i32
        %add3A_519 = arith.addi %mul3A_364, %add3A_518 : i32
        %get3A_520 = arith.index_cast %add3A_519 : i32 to index
        %get3A_521 = arith.constant 0 : index
        %get3A_522 = tpu.vector_load %arg16[%get3A_520, %get3A_521] {strides = array<i32>} : memref<208x16xf32, #tpu.memory_space<vmem>>, vector<1x16xf32>,
        %get3A_523 = vector.shape_cast %get3A_522 : vector<1x16xf32> to vector<16xf32>
        %get3A_524 = arith.constant 160 : index
        %get3A_525 = tpu.vector_load %arg18[%get3A_524] {strides = array<i32>} : memref<416xf32, #tpu.memory_space<vmem>>, vector<16xf32>,
        %get3A_526 = vector.shape_cast %get3A_525 : vector<16xf32> to vector<16xf32>
        %slice3A_527 = vector.extract_strided_slice %get3A_367 {offsets = [10], sizes = [1], strides = [1]} : vector<16xf32> to vector<1xf32>
        %squeeze3A_528 = vector.extract %slice3A_527[0] : f32 from vector<1xf32>
        %mul3A_529 = vector.broadcast %squeeze3A_528 : f32 to vector<16xf32>
        %mul3A_530 = arith.mulf %get3A_526, %mul3A_529 : vector<16xf32>
        %mul3A_531 = arith.mulf %get3A_523, %mul3A_530 : vector<16xf32>
        %add3A_532 = arith.addf %add3A_517, %mul3A_531 : vector<16xf32>
        %add3A_533 = arith.constant 11 : i32
        %add3A_534 = arith.addi %mul3A_364, %add3A_533 : i32
        %get3A_535 = arith.index_cast %add3A_534 : i32 to index
        %get3A_536 = arith.constant 0 : index
        %get3A_537 = tpu.vector_load %arg16[%get3A_535, %get3A_536] {strides = array<i32>} : memref<208x16xf32, #tpu.memory_space<vmem>>, vector<1x16xf32>,
        %get3A_538 = vector.shape_cast %get3A_537 : vector<1x16xf32> to vector<16xf32>
        %get3A_539 = arith.constant 176 : index
        %get3A_540 = tpu.vector_load %arg18[%get3A_539] {strides = array<i32>} : memref<416xf32, #tpu.memory_space<vmem>>, vector<16xf32>,
        %get3A_541 = vector.shape_cast %get3A_540 : vector<16xf32> to vector<16xf32>
        %slice3A_542 = vector.extract_strided_slice %get3A_367 {offsets = [11], sizes = [1], strides = [1]} : vector<16xf32> to vector<1xf32>
        %squeeze3A_543 = vector.extract %slice3A_542[0] : f32 from vector<1xf32>
        %mul3A_544 = vector.broadcast %squeeze3A_543 : f32 to vector<16xf32>
        %mul3A_545 = arith.mulf %get3A_541, %mul3A_544 : vector<16xf32>
        %mul3A_546 = arith.mulf %get3A_538, %mul3A_545 : vector<16xf32>
        %add3A_547 = arith.addf %add3A_532, %mul3A_546 : vector<16xf32>
        %add3A_548 = arith.constant 12 : i32
        %add3A_549 = arith.addi %mul3A_364, %add3A_548 : i32
        %get3A_550 = arith.index_cast %add3A_549 : i32 to index
        %get3A_551 = arith.constant 0 : index
        %get3A_552 = tpu.vector_load %arg16[%get3A_550, %get3A_551] {strides = array<i32>} : memref<208x16xf32, #tpu.memory_space<vmem>>, vector<1x16xf32>,
        %get3A_553 = vector.shape_cast %get3A_552 : vector<1x16xf32> to vector<16xf32>
        %get3A_554 = arith.constant 192 : index
        %get3A_555 = tpu.vector_load %arg18[%get3A_554] {strides = array<i32>} : memref<416xf32, #tpu.memory_space<vmem>>, vector<16xf32>,
        %get3A_556 = vector.shape_cast %get3A_555 : vector<16xf32> to vector<16xf32>
        %slice3A_557 = vector.extract_strided_slice %get3A_367 {offsets = [12], sizes = [1], strides = [1]} : vector<16xf32> to vector<1xf32>
        %squeeze3A_558 = vector.extract %slice3A_557[0] : f32 from vector<1xf32>
        %mul3A_559 = vector.broadcast %squeeze3A_558 : f32 to vector<16xf32>
        %mul3A_560 = arith.mulf %get3A_556, %mul3A_559 : vector<16xf32>
        %mul3A_561 = arith.mulf %get3A_553, %mul3A_560 : vector<16xf32>
        %add3A_562 = arith.addf %add3A_547, %mul3A_561 : vector<16xf32>
        %add3A_563 = arith.constant 13 : i32
        %add3A_564 = arith.addi %mul3A_364, %add3A_563 : i32
        %get3A_565 = arith.index_cast %add3A_564 : i32 to index
        %get3A_566 = arith.constant 0 : index
        %get3A_567 = tpu.vector_load %arg16[%get3A_565, %get3A_566] {strides = array<i32>} : memref<208x16xf32, #tpu.memory_space<vmem>>, vector<1x16xf32>,
        %get3A_568 = vector.shape_cast %get3A_567 : vector<1x16xf32> to vector<16xf32>
        %get3A_569 = arith.constant 208 : index
        %get3A_570 = tpu.vector_load %arg18[%get3A_569] {strides = array<i32>} : memref<416xf32, #tpu.memory_space<vmem>>, vector<16xf32>,
        %get3A_571 = vector.shape_cast %get3A_570 : vector<16xf32> to vector<16xf32>
        %slice3A_572 = vector.extract_strided_slice %get3A_367 {offsets = [13], sizes = [1], strides = [1]} : vector<16xf32> to vector<1xf32>
        %squeeze3A_573 = vector.extract %slice3A_572[0] : f32 from vector<1xf32>
        %mul3A_574 = vector.broadcast %squeeze3A_573 : f32 to vector<16xf32>
        %mul3A_575 = arith.mulf %get3A_571, %mul3A_574 : vector<16xf32>
        %mul3A_576 = arith.mulf %get3A_568, %mul3A_575 : vector<16xf32>
        %add3A_577 = arith.addf %add3A_562, %mul3A_576 : vector<16xf32>
        %add3A_578 = arith.constant 14 : i32
        %add3A_579 = arith.addi %mul3A_364, %add3A_578 : i32
        %get3A_580 = arith.index_cast %add3A_579 : i32 to index
        %get3A_581 = arith.constant 0 : index
        %get3A_582 = tpu.vector_load %arg16[%get3A_580, %get3A_581] {strides = array<i32>} : memref<208x16xf32, #tpu.memory_space<vmem>>, vector<1x16xf32>,
        %get3A_583 = vector.shape_cast %get3A_582 : vector<1x16xf32> to vector<16xf32>
        %get3A_584 = arith.constant 224 : index
        %get3A_585 = tpu.vector_load %arg18[%get3A_584] {strides = array<i32>} : memref<416xf32, #tpu.memory_space<vmem>>, vector<16xf32>,
        %get3A_586 = vector.shape_cast %get3A_585 : vector<16xf32> to vector<16xf32>
        %slice3A_587 = vector.extract_strided_slice %get3A_367 {offsets = [14], sizes = [1], strides = [1]} : vector<16xf32> to vector<1xf32>
        %squeeze3A_588 = vector.extract %slice3A_587[0] : f32 from vector<1xf32>
        %mul3A_589 = vector.broadcast %squeeze3A_588 : f32 to vector<16xf32>
        %mul3A_590 = arith.mulf %get3A_586, %mul3A_589 : vector<16xf32>
        %mul3A_591 = arith.mulf %get3A_583, %mul3A_590 : vector<16xf32>
        %add3A_592 = arith.addf %add3A_577, %mul3A_591 : vector<16xf32>
        %add3A_593 = arith.constant 15 : i32
        %add3A_594 = arith.addi %mul3A_364, %add3A_593 : i32
        %get3A_595 = arith.index_cast %add3A_594 : i32 to index
        %get3A_596 = arith.constant 0 : index
        %get3A_597 = tpu.vector_load %arg16[%get3A_595, %get3A_596] {strides = array<i32>} : memref<208x16xf32, #tpu.memory_space<vmem>>, vector<1x16xf32>,
        %get3A_598 = vector.shape_cast %get3A_597 : vector<1x16xf32> to vector<16xf32>
        %get3A_599 = arith.constant 240 : index
        %get3A_600 = tpu.vector_load %arg18[%get3A_599] {strides = array<i32>} : memref<416xf32, #tpu.memory_space<vmem>>, vector<16xf32>,
        %get3A_601 = vector.shape_cast %get3A_600 : vector<16xf32> to vector<16xf32>
        %slice3A_602 = vector.extract_strided_slice %get3A_367 {offsets = [15], sizes = [1], strides = [1]} : vector<16xf32> to vector<1xf32>
        %squeeze3A_603 = vector.extract %slice3A_602[0] : f32 from vector<1xf32>
        %mul3A_604 = vector.broadcast %squeeze3A_603 : f32 to vector<16xf32>
        %mul3A_605 = arith.mulf %get3A_601, %mul3A_604 : vector<16xf32>
        %mul3A_606 = arith.mulf %get3A_598, %mul3A_605 : vector<16xf32>
        %add3A_607 = arith.addf %add3A_592, %mul3A_606 : vector<16xf32>
        %mul3A_608 = arith.constant 26 : i32
        %mul3A_609 = arith.muli %scan3A_248, %mul3A_608 : i32
        %add3A_610 = arith.constant 26 : i32
        %add3A_611 = arith.addi %mul3A_609, %add3A_610 : i32
        %sub3A_612 = arith.constant 16 : i32
        %sub3A_613 = arith.subi %add3A_611, %sub3A_612 : i32
        %get3A_614 = arith.index_cast %sub3A_613 : i32 to index
        %get3A_615 = tpu.vector_load %arg14[%get3A_614] {strides = array<i32>} : memref<208xf32, #tpu.memory_space<vmem>>, vector<16xf32>,
        %get3A_616 = vector.shape_cast %get3A_615 : vector<16xf32> to vector<16xf32>
        %mul3A_617 = arith.constant 26 : i32
        %mul3A_618 = arith.muli %scan3A_248, %mul3A_617 : i32
        %add3A_619 = arith.constant 16 : i32
        %add3A_620 = arith.addi %mul3A_618, %add3A_619 : i32
        %get3A_621 = arith.index_cast %add3A_620 : i32 to index
        %get3A_622 = arith.constant 0 : index
        %get3A_623 = tpu.vector_load %arg16[%get3A_621, %get3A_622] {strides = array<i32>} : memref<208x16xf32, #tpu.memory_space<vmem>>, vector<1x16xf32>,
        %get3A_624 = vector.shape_cast %get3A_623 : vector<1x16xf32> to vector<16xf32>
        %get3A_625 = arith.constant 256 : index
        %get3A_626 = tpu.vector_load %arg18[%get3A_625] {strides = array<i32>} : memref<416xf32, #tpu.memory_space<vmem>>, vector<16xf32>,
        %get3A_627 = vector.shape_cast %get3A_626 : vector<16xf32> to vector<16xf32>
        %slice3A_628 = vector.extract_strided_slice %get3A_616 {offsets = [6], sizes = [1], strides = [1]} : vector<16xf32> to vector<1xf32>
        %squeeze3A_629 = vector.extract %slice3A_628[0] : f32 from vector<1xf32>
        %mul3A_630 = vector.broadcast %squeeze3A_629 : f32 to vector<16xf32>
        %mul3A_631 = arith.mulf %get3A_627, %mul3A_630 : vector<16xf32>
        %mul3A_632 = arith.mulf %get3A_624, %mul3A_631 : vector<16xf32>
        %add3A_633 = arith.addf %add3A_607, %mul3A_632 : vector<16xf32>
        %mul3A_634 = arith.constant 26 : i32
        %mul3A_635 = arith.muli %scan3A_248, %mul3A_634 : i32
        %add3A_636 = arith.constant 17 : i32
        %add3A_637 = arith.addi %mul3A_635, %add3A_636 : i32
        %get3A_638 = arith.index_cast %add3A_637 : i32 to index
        %get3A_639 = arith.constant 0 : index
        %get3A_640 = tpu.vector_load %arg16[%get3A_638, %get3A_639] {strides = array<i32>} : memref<208x16xf32, #tpu.memory_space<vmem>>, vector<1x16xf32>,
        %get3A_641 = vector.shape_cast %get3A_640 : vector<1x16xf32> to vector<16xf32>
        %get3A_642 = arith.constant 272 : index
        %get3A_643 = tpu.vector_load %arg18[%get3A_642] {strides = array<i32>} : memref<416xf32, #tpu.memory_space<vmem>>, vector<16xf32>,
        %get3A_644 = vector.shape_cast %get3A_643 : vector<16xf32> to vector<16xf32>
        %slice3A_645 = vector.extract_strided_slice %get3A_616 {offsets = [7], sizes = [1], strides = [1]} : vector<16xf32> to vector<1xf32>
        %squeeze3A_646 = vector.extract %slice3A_645[0] : f32 from vector<1xf32>
        %mul3A_647 = vector.broadcast %squeeze3A_646 : f32 to vector<16xf32>
        %mul3A_648 = arith.mulf %get3A_644, %mul3A_647 : vector<16xf32>
        %mul3A_649 = arith.mulf %get3A_641, %mul3A_648 : vector<16xf32>
        %add3A_650 = arith.addf %add3A_633, %mul3A_649 : vector<16xf32>
        %mul3A_651 = arith.constant 26 : i32
        %mul3A_652 = arith.muli %scan3A_248, %mul3A_651 : i32
        %add3A_653 = arith.constant 18 : i32
        %add3A_654 = arith.addi %mul3A_652, %add3A_653 : i32
        %get3A_655 = arith.index_cast %add3A_654 : i32 to index
        %get3A_656 = arith.constant 0 : index
        %get3A_657 = tpu.vector_load %arg16[%get3A_655, %get3A_656] {strides = array<i32>} : memref<208x16xf32, #tpu.memory_space<vmem>>, vector<1x16xf32>,
        %get3A_658 = vector.shape_cast %get3A_657 : vector<1x16xf32> to vector<16xf32>
        %get3A_659 = arith.constant 288 : index
        %get3A_660 = tpu.vector_load %arg18[%get3A_659] {strides = array<i32>} : memref<416xf32, #tpu.memory_space<vmem>>, vector<16xf32>,
        %get3A_661 = vector.shape_cast %get3A_660 : vector<16xf32> to vector<16xf32>
        %slice3A_662 = vector.extract_strided_slice %get3A_616 {offsets = [8], sizes = [1], strides = [1]} : vector<16xf32> to vector<1xf32>
        %squeeze3A_663 = vector.extract %slice3A_662[0] : f32 from vector<1xf32>
        %mul3A_664 = vector.broadcast %squeeze3A_663 : f32 to vector<16xf32>
        %mul3A_665 = arith.mulf %get3A_661, %mul3A_664 : vector<16xf32>
        %mul3A_666 = arith.mulf %get3A_658, %mul3A_665 : vector<16xf32>
        %add3A_667 = arith.addf %add3A_650, %mul3A_666 : vector<16xf32>
        %mul3A_668 = arith.constant 26 : i32
        %mul3A_669 = arith.muli %scan3A_248, %mul3A_668 : i32
        %add3A_670 = arith.constant 19 : i32
        %add3A_671 = arith.addi %mul3A_669, %add3A_670 : i32
        %get3A_672 = arith.index_cast %add3A_671 : i32 to index
        %get3A_673 = arith.constant 0 : index
        %get3A_674 = tpu.vector_load %arg16[%get3A_672, %get3A_673] {strides = array<i32>} : memref<208x16xf32, #tpu.memory_space<vmem>>, vector<1x16xf32>,
        %get3A_675 = vector.shape_cast %get3A_674 : vector<1x16xf32> to vector<16xf32>
        %get3A_676 = arith.constant 304 : index
        %get3A_677 = tpu.vector_load %arg18[%get3A_676] {strides = array<i32>} : memref<416xf32, #tpu.memory_space<vmem>>, vector<16xf32>,
        %get3A_678 = vector.shape_cast %get3A_677 : vector<16xf32> to vector<16xf32>
        %slice3A_679 = vector.extract_strided_slice %get3A_616 {offsets = [9], sizes = [1], strides = [1]} : vector<16xf32> to vector<1xf32>
        %squeeze3A_680 = vector.extract %slice3A_679[0] : f32 from vector<1xf32>
        %mul3A_681 = vector.broadcast %squeeze3A_680 : f32 to vector<16xf32>
        %mul3A_682 = arith.mulf %get3A_678, %mul3A_681 : vector<16xf32>
        %mul3A_683 = arith.mulf %get3A_675, %mul3A_682 : vector<16xf32>
        %add3A_684 = arith.addf %add3A_667, %mul3A_683 : vector<16xf32>
        %mul3A_685 = arith.constant 26 : i32
        %mul3A_686 = arith.muli %scan3A_248, %mul3A_685 : i32
        %add3A_687 = arith.constant 20 : i32
        %add3A_688 = arith.addi %mul3A_686, %add3A_687 : i32
        %get3A_689 = arith.index_cast %add3A_688 : i32 to index
        %get3A_690 = arith.constant 0 : index
        %get3A_691 = tpu.vector_load %arg16[%get3A_689, %get3A_690] {strides = array<i32>} : memref<208x16xf32, #tpu.memory_space<vmem>>, vector<1x16xf32>,
        %get3A_692 = vector.shape_cast %get3A_691 : vector<1x16xf32> to vector<16xf32>
        %get3A_693 = arith.constant 320 : index
        %get3A_694 = tpu.vector_load %arg18[%get3A_693] {strides = array<i32>} : memref<416xf32, #tpu.memory_space<vmem>>, vector<16xf32>,
        %get3A_695 = vector.shape_cast %get3A_694 : vector<16xf32> to vector<16xf32>
        %slice3A_696 = vector.extract_strided_slice %get3A_616 {offsets = [10], sizes = [1], strides = [1]} : vector<16xf32> to vector<1xf32>
        %squeeze3A_697 = vector.extract %slice3A_696[0] : f32 from vector<1xf32>
        %mul3A_698 = vector.broadcast %squeeze3A_697 : f32 to vector<16xf32>
        %mul3A_699 = arith.mulf %get3A_695, %mul3A_698 : vector<16xf32>
        %mul3A_700 = arith.mulf %get3A_692, %mul3A_699 : vector<16xf32>
        %add3A_701 = arith.addf %add3A_684, %mul3A_700 : vector<16xf32>
        %mul3A_702 = arith.constant 26 : i32
        %mul3A_703 = arith.muli %scan3A_248, %mul3A_702 : i32
        %add3A_704 = arith.constant 21 : i32
        %add3A_705 = arith.addi %mul3A_703, %add3A_704 : i32
        %get3A_706 = arith.index_cast %add3A_705 : i32 to index
        %get3A_707 = arith.constant 0 : index
        %get3A_708 = tpu.vector_load %arg16[%get3A_706, %get3A_707] {strides = array<i32>} : memref<208x16xf32, #tpu.memory_space<vmem>>, vector<1x16xf32>,
        %get3A_709 = vector.shape_cast %get3A_708 : vector<1x16xf32> to vector<16xf32>
        %get3A_710 = arith.constant 336 : index
        %get3A_711 = tpu.vector_load %arg18[%get3A_710] {strides = array<i32>} : memref<416xf32, #tpu.memory_space<vmem>>, vector<16xf32>,
        %get3A_712 = vector.shape_cast %get3A_711 : vector<16xf32> to vector<16xf32>
        %slice3A_713 = vector.extract_strided_slice %get3A_616 {offsets = [11], sizes = [1], strides = [1]} : vector<16xf32> to vector<1xf32>
        %squeeze3A_714 = vector.extract %slice3A_713[0] : f32 from vector<1xf32>
        %mul3A_715 = vector.broadcast %squeeze3A_714 : f32 to vector<16xf32>
        %mul3A_716 = arith.mulf %get3A_712, %mul3A_715 : vector<16xf32>
        %mul3A_717 = arith.mulf %get3A_709, %mul3A_716 : vector<16xf32>
        %add3A_718 = arith.addf %add3A_701, %mul3A_717 : vector<16xf32>
        %mul3A_719 = arith.constant 26 : i32
        %mul3A_720 = arith.muli %scan3A_248, %mul3A_719 : i32
        %add3A_721 = arith.constant 22 : i32
        %add3A_722 = arith.addi %mul3A_720, %add3A_721 : i32
        %get3A_723 = arith.index_cast %add3A_722 : i32 to index
        %get3A_724 = arith.constant 0 : index
        %get3A_725 = tpu.vector_load %arg16[%get3A_723, %get3A_724] {strides = array<i32>} : memref<208x16xf32, #tpu.memory_space<vmem>>, vector<1x16xf32>,
        %get3A_726 = vector.shape_cast %get3A_725 : vector<1x16xf32> to vector<16xf32>
        %get3A_727 = arith.constant 352 : index
        %get3A_728 = tpu.vector_load %arg18[%get3A_727] {strides = array<i32>} : memref<416xf32, #tpu.memory_space<vmem>>, vector<16xf32>,
        %get3A_729 = vector.shape_cast %get3A_728 : vector<16xf32> to vector<16xf32>
        %slice3A_730 = vector.extract_strided_slice %get3A_616 {offsets = [12], sizes = [1], strides = [1]} : vector<16xf32> to vector<1xf32>
        %squeeze3A_731 = vector.extract %slice3A_730[0] : f32 from vector<1xf32>
        %mul3A_732 = vector.broadcast %squeeze3A_731 : f32 to vector<16xf32>
        %mul3A_733 = arith.mulf %get3A_729, %mul3A_732 : vector<16xf32>
        %mul3A_734 = arith.mulf %get3A_726, %mul3A_733 : vector<16xf32>
        %add3A_735 = arith.addf %add3A_718, %mul3A_734 : vector<16xf32>
        %mul3A_736 = arith.constant 26 : i32
        %mul3A_737 = arith.muli %scan3A_248, %mul3A_736 : i32
        %add3A_738 = arith.constant 23 : i32
        %add3A_739 = arith.addi %mul3A_737, %add3A_738 : i32
        %get3A_740 = arith.index_cast %add3A_739 : i32 to index
        %get3A_741 = arith.constant 0 : index
        %get3A_742 = tpu.vector_load %arg16[%get3A_740, %get3A_741] {strides = array<i32>} : memref<208x16xf32, #tpu.memory_space<vmem>>, vector<1x16xf32>,
        %get3A_743 = vector.shape_cast %get3A_742 : vector<1x16xf32> to vector<16xf32>
        %get3A_744 = arith.constant 368 : index
        %get3A_745 = tpu.vector_load %arg18[%get3A_744] {strides = array<i32>} : memref<416xf32, #tpu.memory_space<vmem>>, vector<16xf32>,
        %get3A_746 = vector.shape_cast %get3A_745 : vector<16xf32> to vector<16xf32>
        %slice3A_747 = vector.extract_strided_slice %get3A_616 {offsets = [13], sizes = [1], strides = [1]} : vector<16xf32> to vector<1xf32>
        %squeeze3A_748 = vector.extract %slice3A_747[0] : f32 from vector<1xf32>
        %mul3A_749 = vector.broadcast %squeeze3A_748 : f32 to vector<16xf32>
        %mul3A_750 = arith.mulf %get3A_746, %mul3A_749 : vector<16xf32>
        %mul3A_751 = arith.mulf %get3A_743, %mul3A_750 : vector<16xf32>
        %add3A_752 = arith.addf %add3A_735, %mul3A_751 : vector<16xf32>
        %mul3A_753 = arith.constant 26 : i32
        %mul3A_754 = arith.muli %scan3A_248, %mul3A_753 : i32
        %add3A_755 = arith.constant 24 : i32
        %add3A_756 = arith.addi %mul3A_754, %add3A_755 : i32
        %get3A_757 = arith.index_cast %add3A_756 : i32 to index
        %get3A_758 = arith.constant 0 : index
        %get3A_759 = tpu.vector_load %arg16[%get3A_757, %get3A_758] {strides = array<i32>} : memref<208x16xf32, #tpu.memory_space<vmem>>, vector<1x16xf32>,
        %get3A_760 = vector.shape_cast %get3A_759 : vector<1x16xf32> to vector<16xf32>
        %get3A_761 = arith.constant 384 : index
        %get3A_762 = tpu.vector_load %arg18[%get3A_761] {strides = array<i32>} : memref<416xf32, #tpu.memory_space<vmem>>, vector<16xf32>,
        %get3A_763 = vector.shape_cast %get3A_762 : vector<16xf32> to vector<16xf32>
        %slice3A_764 = vector.extract_strided_slice %get3A_616 {offsets = [14], sizes = [1], strides = [1]} : vector<16xf32> to vector<1xf32>
        %squeeze3A_765 = vector.extract %slice3A_764[0] : f32 from vector<1xf32>
        %mul3A_766 = vector.broadcast %squeeze3A_765 : f32 to vector<16xf32>
        %mul3A_767 = arith.mulf %get3A_763, %mul3A_766 : vector<16xf32>
        %mul3A_768 = arith.mulf %get3A_760, %mul3A_767 : vector<16xf32>
        %add3A_769 = arith.addf %add3A_752, %mul3A_768 : vector<16xf32>
        %mul3A_770 = arith.constant 26 : i32
        %mul3A_771 = arith.muli %scan3A_248, %mul3A_770 : i32
        %add3A_772 = arith.constant 25 : i32
        %add3A_773 = arith.addi %mul3A_771, %add3A_772 : i32
        %get3A_774 = arith.index_cast %add3A_773 : i32 to index
        %get3A_775 = arith.constant 0 : index
        %get3A_776 = tpu.vector_load %arg16[%get3A_774, %get3A_775] {strides = array<i32>} : memref<208x16xf32, #tpu.memory_space<vmem>>, vector<1x16xf32>,
        %get3A_777 = vector.shape_cast %get3A_776 : vector<1x16xf32> to vector<16xf32>
        %get3A_778 = arith.constant 400 : index
        %get3A_779 = tpu.vector_load %arg18[%get3A_778] {strides = array<i32>} : memref<416xf32, #tpu.memory_space<vmem>>, vector<16xf32>,
        %get3A_780 = vector.shape_cast %get3A_779 : vector<16xf32> to vector<16xf32>
        %slice3A_781 = vector.extract_strided_slice %get3A_616 {offsets = [15], sizes = [1], strides = [1]} : vector<16xf32> to vector<1xf32>
        %squeeze3A_782 = vector.extract %slice3A_781[0] : f32 from vector<1xf32>
        %mul3A_783 = vector.broadcast %squeeze3A_782 : f32 to vector<16xf32>
        %mul3A_784 = arith.mulf %get3A_780, %mul3A_783 : vector<16xf32>
        %mul3A_785 = arith.mulf %get3A_777, %mul3A_784 : vector<16xf32>
        %add3A_786 = arith.addf %add3A_769, %mul3A_785 : vector<16xf32>
        %mul3A_787 = arith.constant 8 : i32
        %mul3A_788 = arith.muli %scan3A_8, %mul3A_787 : i32
        %add3A_789 = arith.addi %mul3A_788, %scan3A_248 : i32
        %swap3A = arith.index_cast %add3A_789 : i32 to index
        %swap3A_790 = arith.constant 0 : index
        %swap3A_791 = tpu.vector_load %arg19[%swap3A, %swap3A_790] {strides = array<i32>} : memref<128x16xf32, #tpu.memory_space<vmem>>, vector<1x16xf32>,
        %swap3A_792 = vector.shape_cast %swap3A_791 : vector<1x16xf32> to vector<16xf32>
        %swap3A_793 = vector.shape_cast %add3A_786 : vector<16xf32> to vector<1x16xf32>
        tpu.vector_store %arg19[%swap3A, %swap3A_790], %swap3A_793 {strides = array<i32>} : memref<128x16xf32, #tpu.memory_space<vmem>>, vector<1x16xf32>,
      }
      %scan3A_247 = arith.constant 8 : i32
    }
    %scan3A_7 = arith.constant 16 : i32
    "tpu.region"() ({
      %run_scoped3A = tpu.sem_alloc : memref<!tpu.dma_semaphore, #tpu.memory_space<semaphore_mem>>
      %dma_start3A = arith.constant 0 : i32
      %dma_start3A_8 = tpu.memref_slice %arg10[%mul3A_2, %dma_start3A] : memref<4096x16xf32, #tpu.memory_space<hbm>> -> memref<128x16xf32, #tpu.memory_space<hbm>>
      %dma_start3A_9 = arith.constant 0 : i32
      %dma_start3A_10 = tpu.memref_slice %arg10[%mul3A_2, %dma_start3A_9] : memref<4096x16xf32, #tpu.memory_space<hbm>> -> memref<128x16xf32, #tpu.memory_space<hbm>>
      tpu.enqueue_dma source(%arg19 : memref<128x16xf32, #tpu.memory_space<vmem>>) target(%dma_start3A_10 : memref<128x16xf32, #tpu.memory_space<hbm>>) target_semaphore(%run_scoped3A : memref<!tpu.dma_semaphore, #tpu.memory_space<semaphore_mem>>)
      %dma_wait3A = arith.constant 0 : i32
      %dma_wait3A_11 = tpu.memref_slice %arg10[%mul3A_2, %dma_wait3A] : memref<4096x16xf32, #tpu.memory_space<hbm>> -> memref<128x16xf32, #tpu.memory_space<hbm>>
      %dma_wait3A_12 = arith.constant 0 : i32
      %dma_wait3A_13 = tpu.memref_slice %arg10[%mul3A_2, %dma_wait3A_12] : memref<4096x16xf32, #tpu.memory_space<hbm>> -> memref<128x16xf32, #tpu.memory_space<hbm>>
      tpu.wait_dma2 semaphore(%run_scoped3A : memref<!tpu.dma_semaphore, #tpu.memory_space<semaphore_mem>>) src(%arg19 : memref<128x16xf32, #tpu.memory_space<vmem>>) dst(%dma_wait3A_13 : memref<128x16xf32, #tpu.memory_space<hbm>>)
      tpu.yield
    }) : () -> ()
    return
  }
}

module attributes {stable_mosaic.version = 14 : i64} {
  func.func @_tp_body(%arg0: i32, %arg1: memref<16x8192xf32, #tpu.memory_space<vmem>>, %arg2: memref<1024x128xf32, #tpu.memory_space<vmem>>) attributes {dimension_semantics = [#tpu.dimension_semantics<arbitrary>], iteration_bounds = array<i64: 123>, scalar_prefetch = 0 : i64, scratch_operands = 0 : i64, tpu.core_type = #tpu.core_type<tc>, window_params = [{transform_indices = @transform_0, window_bounds = array<i64: 16, 8192>}, {transform_indices = @transform_1, window_bounds = array<i64: 1024, 128>}]} {
    %get3A = arith.constant 0 : index
    %get3A_0 = arith.constant 0 : index
    %get3A_1 = vector.load %arg1[%get3A, %get3A_0] : memref<16x8192xf32, #tpu.memory_space<vmem>>, vector<16x8192xf32>
    %reshape3A = vector.shape_cast %get3A_1 : vector<16x8192xf32> to vector<16x1024x8xf32>
    %transpose3A = tpu.transpose %reshape3A, [1, 2, 0] : vector<16x1024x8xf32> -> vector<1024x8x16xf32>
    %reshape3A_2 = vector.shape_cast %transpose3A : vector<1024x8x16xf32> to vector<1024x128xf32>
    %swap3A = arith.constant 0 : index
    %swap3A_3 = arith.constant 0 : index
    %swap3A_4 = vector.load %arg2[%swap3A, %swap3A_3] : memref<1024x128xf32, #tpu.memory_space<vmem>>, vector<1024x128xf32>
    tpu.vector_store %arg2[%swap3A, %swap3A_3], %reshape3A_2 {strides = array<i32>} : memref<1024x128xf32, #tpu.memory_space<vmem>>, vector<1024x128xf32>,
    return
  }
  func.func @transform_0(%arg0: i32) -> (i32, i32) {
    %c0_i32 = arith.constant 0 : i32
    %c0_i32_0 = arith.constant 0 : i32
    return %c0_i32, %arg0 : i32, i32
  }
  func.func @transform_1(%arg0: i32) -> (i32, i32) {
    %c0_i32 = arith.constant 0 : i32
    %c0_i32_0 = arith.constant 0 : i32
    return %arg0, %c0_i32 : i32, i32
  }
}

module attributes {stable_mosaic.version = 14 : i64} {
  func.func @_epi_body(%arg0: memref<4096x16xf32, #tpu.memory_space<vmem>>, %arg1: memref<4096x1xf32, #tpu.memory_space<vmem>>, %arg2: memref<1x1xf32, #tpu.memory_space<smem>>, %arg3: memref<4096x1xf32, #tpu.memory_space<vmem>>, %arg4: memref<1x1xf32, #tpu.memory_space<smem>>) attributes {dimension_semantics = [], scalar_prefetch = 0 : i64, scratch_operands = 0 : i64, tpu.core_type = #tpu.core_type<tc>} {
    %get3A = arith.constant 0 : index
    %get3A_0 = arith.constant 0 : index
    %get3A_1 = vector.load %arg0[%get3A, %get3A_0] : memref<4096x16xf32, #tpu.memory_space<vmem>>, vector<4096x16xf32>
    %reduce_sum3A = arith.constant dense<0.000000e+00> : vector<4096xf32>
    %reduce_sum3A_2 = vector.multi_reduction <add>, %get3A_1, %reduce_sum3A [1] : vector<4096x16xf32> to vector<4096xf32>
    %broadcast_in_dim3A = vector.shape_cast %reduce_sum3A_2 : vector<4096xf32> to vector<4096x1xf32>
    %get3A_3 = arith.constant 0 : index
    %get3A_4 = arith.constant 0 : index
    %get3A_5 = memref.load %arg2[%get3A_3, %get3A_4] : memref<1x1xf32, #tpu.memory_space<smem>>
    %add3A = vector.broadcast %get3A_5 : f32 to vector<4096x1xf32>
    %add3A_6 = arith.addf %broadcast_in_dim3A, %add3A : vector<4096x1xf32>
    %neg3A = arith.constant 0.000000e+00 : f32
    %neg3A_7 = vector.broadcast %neg3A : f32 to vector<4096x1xf32>
    %neg3A_8 = arith.subf %neg3A_7, %add3A_6 : vector<4096x1xf32>
    %exp3A = math.exp %neg3A_8 : vector<4096x1xf32>
    %add3A_9 = arith.constant 1.000000e+00 : f32
    %add3A_10 = vector.broadcast %add3A_9 : f32 to vector<4096x1xf32>
    %add3A_11 = arith.addf %add3A_10, %exp3A : vector<4096x1xf32>
    %div3A = arith.constant 1.000000e+00 : f32
    %div3A_12 = vector.broadcast %div3A : f32 to vector<4096x1xf32>
    %div3A_13 = arith.divf %div3A_12, %add3A_11 : vector<4096x1xf32>
    %swap3A = arith.constant 0 : index
    %swap3A_14 = arith.constant 0 : index
    %swap3A_15 = vector.load %arg3[%swap3A, %swap3A_14] : memref<4096x1xf32, #tpu.memory_space<vmem>>, vector<4096x1xf32>
    tpu.vector_store %arg3[%swap3A, %swap3A_14], %div3A_13 {strides = array<i32>} : memref<4096x1xf32, #tpu.memory_space<vmem>>, vector<4096x1xf32>,
    %get3A_16 = arith.constant 0 : index
    %get3A_17 = arith.constant 0 : index
    %get3A_18 = vector.load %arg1[%get3A_16, %get3A_17] : memref<4096x1xf32, #tpu.memory_space<vmem>>, vector<4096x1xf32>
    %ge3A = arith.constant 9.99999974E-6 : f32
    %ge3A_19 = vector.broadcast %ge3A : f32 to vector<4096x1xf32>
    %ge3A_20 = arith.cmpf oge, %get3A_18, %ge3A_19 : vector<4096x1xf32>
    %convert_element_type3A = arith.extui %ge3A_20 : vector<4096x1xi1> to vector<4096x1xi32>
    %convert_element_type3A_21 = arith.sitofp %convert_element_type3A : vector<4096x1xi32> to vector<4096x1xf32>
    %jit3A = arith.constant 1.000000e-07 : f32
    %jit3A_22 = arith.constant 0.99999988 : f32
    %max3A = vector.broadcast %jit3A : f32 to vector<4096x1xf32>
    %max3A_23 = arith.maximumf %max3A, %div3A_13 : vector<4096x1xf32>
    %min3A = vector.broadcast %jit3A_22 : f32 to vector<4096x1xf32>
    %min3A_24 = arith.minimumf %min3A, %max3A_23 : vector<4096x1xf32>
    %log3A = math.log %min3A_24 : vector<4096x1xf32>
    %mul3A = arith.mulf %convert_element_type3A_21, %log3A : vector<4096x1xf32>
    %sub3A = arith.constant 1.000000e+00 : f32
    %sub3A_25 = vector.broadcast %sub3A : f32 to vector<4096x1xf32>
    %sub3A_26 = arith.subf %sub3A_25, %convert_element_type3A_21 : vector<4096x1xf32>
    %sub3A_27 = arith.constant 1.000000e+00 : f32
    %sub3A_28 = vector.broadcast %sub3A_27 : f32 to vector<4096x1xf32>
    %sub3A_29 = arith.subf %sub3A_28, %min3A_24 : vector<4096x1xf32>
    %log3A_30 = math.log %sub3A_29 : vector<4096x1xf32>
    %mul3A_31 = arith.mulf %sub3A_26, %log3A_30 : vector<4096x1xf32>
    %add3A_32 = arith.addf %mul3A, %mul3A_31 : vector<4096x1xf32>
    %neg3A_33 = arith.constant 0.000000e+00 : f32
    %neg3A_34 = vector.broadcast %neg3A_33 : f32 to vector<4096x1xf32>
    %neg3A_35 = arith.subf %neg3A_34, %add3A_32 : vector<4096x1xf32>
    %reduce_sum3A_36 = vector.shape_cast %neg3A_35 : vector<4096x1xf32> to vector<1x4096x1xf32>
    %reduce_sum3A_37 = arith.constant dense<0.000000e+00> : vector<1xf32>
    %reduce_sum3A_38 = vector.multi_reduction <add>, %reduce_sum3A_36, %reduce_sum3A_37 [1, 2] : vector<1x4096x1xf32> to vector<1xf32>
    %reduce_sum3A_39 = vector.shape_cast %reduce_sum3A_38 : vector<1xf32> to vector<1x1x1xf32>
    %reduce_sum3A_40 = vector.extract %reduce_sum3A_39[0, 0, 0] : f32 from vector<1x1x1xf32>
    %div3A_41 = arith.constant 4.096000e+03 : f32
    %div3A_42 = arith.divf %reduce_sum3A_40, %div3A_41 : f32
    %swap3A_43 = arith.constant 0 : index
    %swap3A_44 = arith.constant 0 : index
    %swap3A_45 = memref.load %arg4[%swap3A_43, %swap3A_44] : memref<1x1xf32, #tpu.memory_space<smem>>
    memref.store %div3A_42, %arg4[%swap3A_43, %swap3A_44] : memref<1x1xf32, #tpu.memory_space<smem>>
    return
  }
}

</mosaic_0001>

<sc_bundles>
// kernel: kernel.6.cloned.1.call-start
scs
__scs_entry_jumppad:
0x0: {  	(pc) =	sbr.rel $0x88, $3  }
0x1: {  	(tag) =	ssettag $0x0;
	lr =	simm.s32 $0x1  }
0x2: {  	[smem:$0x3F98] =	sst lr;
	_ =	strace $0xD0000000  }
0x3: {  	_ = 	snop  }
0x4: {  	_ = 	snop  }
0x5: {  	_ = 	snop  }
0x6: {  	_ = 	snop  }
0x7: {  	_ = 	snop  }
__scs_overlays_trampoline_lowered:
0x8: {  	[smem:$0x3FA7] =	sst s0  }
0x9: {  	[smem:$0x3FA8] =	sst s1  }
0xa: {  	[smem:$0x3FA9] =	sst s2  }
0xb: {  	[smem:$0x3FAA] =	sst s3  }
0xc: {  	[smem:$0x3FAB] =	sst s4  }
0xd: {  	[smem:$0x3FAC] =	sst s5  }
0xe: {  	[smem:$0x3FAD] =	sst s6  }
0xf: {  	[smem:$0x3FAE] =	sst s7  }
0x10: {  	[smem:$0x3FAF] =	sst s8  }
0x11: {  	[smem:$0x3FB0] =	sst s9;
	s0 =	simm.s32 @!p0 $0x0  }
0x12: {  	s1 =	sld [smem:$0x3F96];
	s0 =	simm.s32 @p0 $0x1  }
0x13: {  	[smem:$0x3FB1] =	sst s0;
	s0 =	simm.s32 @!p1 $0x0  }
0x14: {  	s2 =	sld [smem:$0x3F95];
	s0 =	simm.s32 @p1 $0x1  }
0x15: {  	[smem:$0x3FB2] =	sst s0;
	s0 =	simm.s32 @!p2 $0x0  }
0x16: {  	s3 =	sld [smem:$0x3FDB];
	s0 =	simm.s32 @p2 $0x1  }
0x17: {  	s4 =	simm.s32 $0x1BF5;
	[smem:$0x3FB4] =	sst s0  }
0x18: {  	s0 =	sld [smem:$0x3F97];
	_ =	swait.ge [sflag:s4], $0x0  }
0x19: {  	s7 =	sld [smem:$0x3F98]  }
0x1a: {  	s8 =	sadd.s32 $0xFFFFE003, lr  }
0x1b: {  	s9 =	sadd.s32 $0xFFFFFEF7, lr;
	s5 =	simm.s32 $0xFFFFFFFF;
	p2 =	slt.u32 s8, $0xFFFFF086  }
0x1c: {  	p1 =	slt.u32 s9, $0xF7A;
	s5 =	simm.s32 @!p2 $0x0  }
0x1d: {  	s5 =	simm.s32 @p1 $0x1;
	p0 =	seq.s32 s7, s2  }
0x1e: {  	s7 =	smul.u32 @!p0 $0xF7A, s2;
	p2 =	seq.s32 @!p0 s5, $0x0  }
0x1f: {  	s9 =	smul.u32 $0xF7A, s1;
	s8 =	simm.s32 @!p0 $0x1BF5;
	p2 =	por !p2, p0  }
0x20: {  	[sflag:s8] =	ssyncset.s32 @!p0 $0xFFFFF086;
	s6 =	sadd.s32 @!p0 s3, s7;
	s7 =	simm.s32 @!p0 $0x108  }
0x21: {  	s3 =	sadd.s32 s3, s9;
	s6 =	sadd.s32 @!p0 $0x88, s6;
	s7 =	simm.s32 @p2 $0x1082  }
0x22: {  	[simem:s7], [sflag:s8] =	dma.local @!p0 [hbm:s6], $0xF7A  }
0x23: {  	s9 =	sor.u32 $0xD0000000, s2;
	s6 =	simm.s32 $0x108;
	_ =	swait.ge @!p0 [sflag:s8], $0x0  }
0x24: {  	s3 =	sadd.s32 $0x88, s3;
	s6 =	simm.s32 @!p1 $0x1082;
	[sflag:s4] =	ssyncset.s32 $0xFFFFF086  }
0x25: {  	[simem:s6], [sflag:s4] =	dma.local [hbm:s3], $0xF7A  }
0x26: {  	[smem:$0x3F98] =	sst s1;
	(tag) =	ssettag s2;
	_ =	strace s9  }
0x27: {  	s1 =	sld [smem:$0x3FA8]  }
0x28: {  	s2 =	sld [smem:$0x3FA9]  }
0x29: {  	s4 =	sld [smem:$0x3FAB]  }
0x2a: {  	p0 =	seq.s32 s5, $0x0;
	s5 =	sld [smem:$0x3FAC]  }
0x2b: {  	s6 =	sld [smem:$0x3FAD]  }
0x2c: {  	s7 =	sld [smem:$0x3FAE]  }
0x2d: {  	s3 =	simm.s32 $0x108;
	s8 =	sld [smem:$0x3FAF]  }
0x2e: {  	s3 =	simm.s32 @!p0 $0x1082;
	s9 =	sld [smem:$0x3FB0]  }
0x2f: {  	lr =	sadd.s32 s0, s3;
	s0 =	sld [smem:$0x3FA7]  }
0x30: {  	s3 =	sld [smem:$0x3FAA]  }
0x31: {  	[smem:$0x3FB3] =	sst s10  }
0x32: {  	s10 =	sld [smem:$0x3FB1];
	_ =	sdelay $0x3  }
0x33: {  	p0 =	seq.s32 s10, $0x1;
	s10 =	sld [smem:$0x3FB3];
	_ =	sdelay $0x3  }
0x34: {  	[smem:$0x3FB3] =	sst s10  }
0x35: {  	s10 =	sld [smem:$0x3FB2];
	_ =	sdelay $0x3  }
0x36: {  	p1 =	seq.s32 s10, $0x1;
	s10 =	sld [smem:$0x3FB3];
	_ =	sdelay $0x3  }
0x37: {  	[smem:$0x3FB3] =	sst s10  }
0x38: {  	s10 =	sld [smem:$0x3FB4]  }
0x39: {  	_ = 	snop;
	(pc) =	sbr.ind lr, $3  }
0x3a: {  	_ = 	snop  }
0x3b: {  	_ = 	snop  }
0x3c: {  	p2 =	seq.s32 s10, $0x1;
	s10 =	sld [smem:$0x3FB3]  }
0x3d: {  	_ =	shalt  }
0x3e: {  	_ =	shalt  }
0x3f: {  	_ =	shalt  }
0x40: {  	_ =	shalt  }
0x41: {  	_ =	shalt  }
0x42: {  	_ =	shalt  }
0x43: {  	_ =	shalt  }
0x44: {  	_ =	shalt  }
0x45: {  	_ =	shalt  }
0x46: {  	_ =	shalt  }
0x47: {  	_ =	shalt  }
0x48: {  	_ =	shalt  }
0x49: {  	_ =	shalt  }
0x4a: {  	_ =	shalt  }
0x4b: {  	_ =	shalt  }
0x4c: {  	_ =	shalt  }
0x4d: {  	_ =	shalt  }
0x4e: {  	_ =	shalt  }
0x4f: {  	_ =	shalt  }
0x50: {  	_ =	shalt  }
0x51: {  	_ =	shalt  }
0x52: {  	_ =	shalt  }
0x53: {  	_ =	shalt  }
0x54: {  	_ =	shalt  }
0x55: {  	_ =	shalt  }
0x56: {  	_ =	shalt  }
0x57: {  	_ =	shalt  }
0x58: {  	_ =	shalt  }
0x59: {  	_ =	shalt  }
0x5a: {  	_ =	shalt  }
0x5b: {  	_ =	shalt  }
0x5c: {  	_ =	shalt  }
0x5d: {  	_ =	shalt  }
0x5e: {  	_ =	shalt  }
0x5f: {  	_ =	shalt  }
0x60: {  	_ =	shalt  }
0x61: {  	_ =	shalt  }
0x62: {  	_ =	shalt  }
0x63: {  	_ =	shalt  }
0x64: {  	_ =	shalt  }
0x65: {  	_ =	shalt  }
0x66: {  	_ =	shalt  }
0x67: {  	_ =	shalt  }
0x68: {  	_ =	shalt  }
0x69: {  	_ =	shalt  }
0x6a: {  	_ =	shalt  }
0x6b: {  	_ =	shalt  }
0x6c: {  	_ =	shalt  }
0x6d: {  	_ =	shalt  }
0x6e: {  	_ =	shalt  }
0x6f: {  	_ =	shalt  }
0x70: {  	_ =	shalt  }
0x71: {  	_ =	shalt  }
0x72: {  	_ =	shalt  }
0x73: {  	_ =	shalt  }
0x74: {  	_ =	shalt  }
0x75: {  	_ =	shalt  }
0x76: {  	_ =	shalt  }
0x77: {  	_ =	shalt  }
0x78: {  	_ =	shalt  }
0x79: {  	_ =	shalt  }
0x7a: {  	_ =	shalt  }
0x7b: {  	_ =	shalt  }
0x7c: {  	_ =	shalt  }
0x7d: {  	_ =	shalt  }
0x7e: {  	_ =	shalt  }
0x7f: {  	_ =	shalt  }
0x80: {  	_ =	shalt  }
0x81: {  	_ =	shalt  }
0x82: {  	_ =	shalt  }
0x83: {  	_ =	shalt  }
0x84: {  	_ =	shalt  }
0x85: {  	_ =	shalt  }
0x86: {  	_ =	shalt  }
0x87: {  	_ =	shalt  }
.Lfunc_end0:
.L_simem_size_0:
called_computation_lowered:
.L_overlay_start_0:
0x88: {  	s2 =	sld [smem:$0x3FD9]  }
0x89: {  	s3 =	sld [smem:$0x3FFE];
	_ =	sdelay $0x1  }
0x8a: {  	s1 =	srdreg.scid  }
0x8b: {  	s0 =	sand.u32 $0x1, s1  }
0x8c: {  	s14 =	sshll.u32 s0, $0xA;
	s2 =	sadd.s32 s3, s2  }
0x8d: {  	s2 =	sadd.s32 s2, s14  }
0x8e: {  	[smem:$0x3FBF] =	sst s2  }
0x8f: {  	_ = 	snop  }
0x90: {  	s2 =	sld [smem:$0x3FD0];
	_ =	sdelay $0x2  }
0x91: {  	s15 =	simm.s32 $0xA;
	s4 =	simm.s32 $0x10  }
0x92: {  	[smem:s4], [sflag:s15] =	dma.local [hbm:s2], $0x1  }
0x93: {  	_ =	swait.eq [sflag:s15], $0x1  }
0x94: {  	[sflag:s15] =	ssyncset.done $0x0  }
0x95: {  	[sflag:s15] =	ssyncadd.s32 $0xFFFFFFFF  }
0x96: {  	s16 =	sld [smem:$0x11];
	(tm) =	ssettm $0x1  }
0x97: {  	s17 =	sld [smem:$0x3FFB];
	_ =	sdelay $0x3  }
0x98: {  	_ =	strace s17  }
0x99: {  	s3 =	sld [smem:$0x3FFC];
	_ =	sdelay $0x3  }
0x9a: {  	_ =	strace s3  }
0x9b: {  	s3 =	sld [smem:$0x3FFD];
	_ =	sdelay $0x3  }
0x9c: {  	_ =	strace s3  }
0x9d: {  	_ =	strace $0x8FFFFFFF  }
0x9e: {  	s18 =	sld [smem:$0x3FDB];
	_ =	sdelay $0x1  }
0x9f: {  	s19 =	simm.s32 $_scs_section_size  }
0xa0: {  	s5 =	simm.s32 $_size__tile_overlayer_lowered;
	s6 =	simm.s32 $_tile_overlayer_lowered  }
0xa1: {  	s22 =	simm.s32 $0x1BFF;
	s21 =	sshll.u32 s6, $0x1;
	s3 =	sadd.s32 s19, s18  }
0xa2: {  	s7 =	simm.s32 $0x0;
	s20 =	sshll.u32 s5, $0x1;
	s5 =	sadd.s32 s21, s3  }
0xa3: {  	[timem:s7], [sflag:s22] =	dma.local [hbm:s5], s20  }
0xa4: {  	_ =	swait.ge [sflag:s22], s20  }
0xa5: {  	s4 =	ssub.s32 $0x0, s20;
	[sflag:s22] =	ssyncset.done $0x0  }
0xa6: {  	[sflag:s22] =	ssyncadd.s32 s4;
	_ =	sdelay $0x1  }
0xa7: {  	s23 =	simm.s32 $0x1B8B  }
0xa8: {  	_ =	swait.ge [sflag:s23], $0x1  }
0xa9: {  	[sflag:s23] =	ssyncset.done $0x0  }
0xaa: {  	s25 =	simm.s32 $0x1B8E;
	s24 =	sld [smem:$0x3FFE];
	[sflag:s23] =	ssyncadd.s32 $0xFFFFFFFF  }
0xab: {  	s26 =	simm.s32 $execute0_lowered;
	[smem:$0x3FD2] =	sst s25  }
0xac: {  	s5 =	sshll.u32 s26, $0x1;
	_ =	strace $0x80000046;
	[dreg:$0x1] =	wrdreg $0xFFFFFFFF  }
0xad: {  	s28 =	simm.s32 $_size_execute0_lowered;
	s3 =	sadd.s32 s3, s5;
	[dreg:$0x0] =	wrdreg $0x0  }
0xae: {  	s5 =	sshll.u32 s28, $0x1;
	[dreg:$0x2] =	wrdreg s3  }
0xaf: {  	[dreg:$0x3] =	wrdreg s5  }
0xb0: {  	[dreg:$0x4] =	wrdreg $0xC0  }
0xb1: {  	_ =	task [dreg:s7], $0x5FFFF  }
0xb2: {  	[dreg:$0x1] =	wrdreg $0xFFFFFFFF  }
0xb3: {  	[dreg:$0x0] =	wrdreg $0x60  }
0xb4: {  	[dreg:$0x2] =	wrdreg s24  }
0xb5: {  	[dreg:$0x3] =	wrdreg s16  }
0xb6: {  	[dreg:$0x4] =	wrdreg $0x9  }
0xb7: {  	_ =	task.clear_ibuf [dreg:s7], $0x5FFFF;
	_ =	strace $0x90000046  }
0xb8: {  	s29 =	simm.s32 $0x9;
	_ =	strace $0x80000048  }
0xb9: {  	_ =	swait.ge [sflag:s29], $0x1  }
0xba: {  	[sflag:s29] =	ssyncadd.s32 $0xFFFFFFFF  }
0xbb: {  	_ =	strace $0x90000048  }
0xbc: {  	_ =	sfence  }
0xbd: {  	s30 =	sld [smem:$0x0];
	_ =	sdelay $0x2  }
0xbe: {  	s31 =	sshll.u32 s1, $0xD;
	s1 =	sshrl.u32 s1, $0x2  }
0xbf: {  	s3 =	sand.u32 $0x4000, s31;
	s1 =	sadd.s32 s1, s30  }
0xc0: {  	s0 =	sor.u32 s3, s0;
	s1 =	sshll.u32 s1, $0x11  }
0xc1: {  	s0 =	sor.u32 s1, s0  }
0xc2: {  	s0 =	sadd.s32 $0x8F2B, s0  }
0xc3: {  	[sflag:s0] =	ssyncadd.remote.s32 $0x1  }
0xc4: {  	_ =	sfence.sel $0xFFFF  }
0xc5: {  	[dreg:$0x0] =	wrdreg $0xFFFFFFFF;
	(pc) =	sbr.abs _section_cstart, $3  }
0xc6: {  	[dreg:$0x1] =	wrdreg $0xFFFFFFFF  }
0xc7: {  	_ =	task.clear_ibuf [dreg:s7], $0x2FFFF;
	_ =	strace $0x9FFFFFFF  }
0xc8: {  	(tm) =	ssettm $0x7FFFFFFF  }
0xc9: {  	_ =	shalt  }
tec
execute0_lowered:
.L_overlay_start_1:
0x0: {  	(tag) =	ssettag $0x1  }
0x1: {  	s0 =	rddreg [dreg:$0x0]  }
0x2: {  	s11 =	simm.s32 $0x0;
	s1 =	srdreg.scid;
	s2 =	stileid.u32  }
0x3: {  	s15 =	simm.s32 $0x2;
	s17 =	simm.s32 $0x5B0;
	s20 =	simm.s32 $0x80  }
0x4: {  	s13 =	simm.s32 $0x5500;
	s18 =	simm.s32 $0x5D00;
	s19 =	simm.s32 $0x30  }
0x5: {  	s21 =	simm.s32 $0x580;
	s22 =	simm.s32 $0x6500;
	s23 =	simm.s32 $0x6800  }
0x6: {  	s24 =	simm.s32 $0x50;
	s25 =	simm.s32 $0x630;
	s26 =	simm.s32 $0x7000  }
0x7: {  	s28 =	simm.s32 $0x1;
	[smem:$0x7FF] =	sst s11;
	s4 =	sadd.s32 $0x34C00, s0  }
0x8: {  	s5 =	sadd.s32 $0x21D200, s0;
	s6 =	sadd.s32 $0x7400, s0;
	s1 =	sand.u32 $0x1, s1  }
0x9: {  	s7 =	sadd.s32 $0x1E000, s0;
	s2 =	sshll.u32 s2, $0x8;
	s8 =	sadd.s32 $0xC00, s0  }
0xa: {  	s10 =	sadd.s32 $0x4000, s0;
	s3 =	sshll.u32 s1, $0x7;
	s1 =	ssub.s32 $0x2, s1  }
0xb: {  	s12 =	sadd.s32 $0xA00, s0;
	s9 =	sor.u32 s3, s2;
	s30 =	sshrl.u32 s1, $0x1  }
0xc: {  	_ =	strace $0x80000047;
	s2 =	sshll.u32 s9, $0x1;
	s1 =	ssub.s32 s1, s30  }
0xd: {  	[dreg:$0x3] =	wrdreg s12;
	s0 =	sadd.s32 s2, s0;
	s31 =	smax.u32 s1, $0x1  }
0xe: {  	s12 =	simm.s32 $0x480;
	s0 =	sadd.s32 $0x405800, s0;
	[dreg:$0x5] =	wrdreg s31  }
0xf: {  	s2 =	simm.s32 $0x500;
	s1 =	simm.s32 $0x0;
	[dreg:$0x4] =	wrdreg s0  }
.LBB2_1:
0x10: {  	[dreg:$0x6] =	wrdreg s1  }
0x11: {  	s0 =	rddreg [dreg:$0x1];
	s16 =	simm.s32 $0x7500  }
0x12: {  	[tilespmem:s16], [sflag:$0x2] =	stream.linear.gather [hbm4b:s0+s11], $0xB60, $0x38;
	[tilespmem:$0x8A00] =	vst v63  }
0x13: {  	_ =	swait.ge [sflag:s15], $0xB60  }
0x14: {  	[sflag:s15] =	ssyncset.done $0x0  }
0x15: {  	s31 =	simm.s32 $0x8060;
	s30 =	rddreg [dreg:$0x3];
	[sflag:s15] =	ssyncadd.s32 $0xFFFFF4A0  }
0x16: {  	[tilespmem:s31], [sflag:$0x2] =	stream.linear.gather [hbm4b:s30+s11], $0x1A0, $0x38;
	[tilespmem:$0x8A00] =	vst v63  }
0x17: {  	_ =	swait.ge [sflag:s15], $0x1A0  }
0x18: {  	[sflag:s15] =	ssyncset.done $0x0  }
0x19: {  	s29 =	simm.s32 $0x0;
	[sflag:s15] =	ssyncadd.s32 $0xFFFFFE60  }
.LBB2_2:
0x1a: {  	s30 =	sshll.u32 s29, $0x3  }
0x1b: {  	s0 =	sor.u32 s9, s30  }
0x1c: {  	s1 =	smul.u32 $0xB6, s0;
	_ =	sdelay $0x1  }
0x1d: {  	s1 =	sshrl.u32 s1, $0x3  }
0x1e: {  	s31 =	simm.s32 $0x0;
	s0 =	smul.u32 $0x1A, s0;
	s3 =	sadd.s32 s6, s1  }
0x1f: {  	[tilespmem:s31], [sflag:$0x2] =	stream.linear.gather [hbm4b:s3+s31], $0x5B0, $0x38;
	[tilespmem:$0x8A00] =	vst v63  }
0x20: {  	_ =	swait.ge [sflag:s15], $0x5B0  }
0x21: {  	s0 =	sshrl.u32 s0, $0x3;
	[sflag:s15] =	ssyncset.done $0x0  }
0x22: {  	s11 =	sadd.s32 s8, s0;
	[sflag:s15] =	ssyncadd.s32 $0xFFFFFA50  }
0x23: {  	[tilespmem:s17], [sflag:$0x2] =	stream.linear.gather [hbm4b:s11+s31], $0xD0, $0x38;
	[tilespmem:$0x8A00] =	vst v63  }
0x24: {  	_ =	swait.ge [sflag:s15], $0xD0  }
0x25: {  	[sflag:s15] =	ssyncset.done $0x0  }
0x26: {  	s14 =	simm.s32 $0x680;
	s1 =	sadd.s32 s7, s1;
	[sflag:s15] =	ssyncadd.s32 $0xFFFFFF30  }
0x27: {  	[tilespmem:s14], [sflag:$0x2] =	stream.linear.gather [hbm4b:s1+s31], $0x5B0, $0x38;
	[tilespmem:$0x8A00] =	vst v63  }
0x28: {  	_ =	swait.ge [sflag:s15], $0x5B0  }
0x29: {  	[sflag:s15] =	ssyncset.done $0x0  }
0x2a: {  	s16 =	simm.s32 $0xC30;
	s0 =	sadd.s32 s10, s0;
	[sflag:s15] =	ssyncadd.s32 $0xFFFFFA50  }
0x2b: {  	[tilespmem:s16], [sflag:$0x2] =	stream.linear.gather [hbm4b:s0+s31], $0xD0, $0x38;
	[tilespmem:$0x8A00] =	vst v63  }
0x2c: {  	_ =	swait.ge [sflag:s15], $0xD0  }
0x2d: {  	[sflag:s15] =	ssyncset.done $0x0  }
0x2e: {  	s3 =	simm.s32 $0xD00;
	[sflag:s15] =	ssyncadd.s32 $0xFFFFFF30  }
0x2f: {  	[tilespmem:s3], [sflag:$0x1] =	stream.indirect.gather [hbm4b:s4+s20], $0x10, s31, s20, $0xb8;
	[tilespmem:$0x8A00] =	vst v63  }
0x30: {  	s11 =	simm.s32 $0x1500  }
0x31: {  	[tilespmem:s11], [sflag:$0x1] =	stream.indirect.gather [hbm4b:s4+s20], $0x10, s20, s20, $0xb8;
	[tilespmem:$0x8A00] =	vst v63  }
0x32: {  	s14 =	simm.s32 $0x100;
	s16 =	simm.s32 $0x1D00  }
0x33: {  	[tilespmem:s16], [sflag:$0x1] =	stream.indirect.gather [hbm4b:s4+s20], $0x10, s14, s20, $0xb8;
	[tilespmem:$0x8A00] =	vst v63  }
0x34: {  	s3 =	simm.s32 $0x180;
	s11 =	simm.s32 $0x2500  }
0x35: {  	[tilespmem:s11], [sflag:$0x1] =	stream.indirect.gather [hbm4b:s4+s20], $0x10, s3, s20, $0xb8;
	[tilespmem:$0x8A00] =	vst v63  }
0x36: {  	s14 =	simm.s32 $0x200;
	s16 =	simm.s32 $0x2D00  }
0x37: {  	[tilespmem:s16], [sflag:$0x1] =	stream.indirect.gather [hbm4b:s4+s20], $0x10, s14, s20, $0xb8;
	[tilespmem:$0x8A00] =	vst v63  }
0x38: {  	s3 =	simm.s32 $0x280;
	s11 =	simm.s32 $0x3500  }
0x39: {  	[tilespmem:s11], [sflag:$0x1] =	stream.indirect.gather [hbm4b:s4+s20], $0x10, s3, s20, $0xb8;
	[tilespmem:$0x8A00] =	vst v63  }
0x3a: {  	s14 =	simm.s32 $0x300;
	s16 =	simm.s32 $0x3D00  }
0x3b: {  	[tilespmem:s16], [sflag:$0x1] =	stream.indirect.gather [hbm4b:s4+s20], $0x10, s14, s20, $0xb8;
	[tilespmem:$0x8A00] =	vst v63  }
0x3c: {  	s3 =	simm.s32 $0x380;
	s11 =	simm.s32 $0x4500  }
0x3d: {  	[tilespmem:s11], [sflag:$0x1] =	stream.indirect.gather [hbm4b:s4+s20], $0x10, s3, s20, $0xb8;
	[tilespmem:$0x8A00] =	vst v63  }
0x3e: {  	s14 =	simm.s32 $0x400;
	s16 =	simm.s32 $0x4D00  }
0x3f: {  	[tilespmem:s16], [sflag:$0x1] =	stream.indirect.gather [hbm4b:s4+s20], $0x10, s14, s20, $0xb8;
	[tilespmem:$0x8A00] =	vst v63  }
0x40: {  	_ = 	snop  }
0x41: {  	[tilespmem:s13], [sflag:$0x1] =	stream.indirect.gather [hbm4b:s4+s20], $0x10, s12, s20, $0xb8;
	[tilespmem:$0x8A00] =	vst v63  }
0x42: {  	_ = 	snop  }
0x43: {  	[tilespmem:s18], [sflag:$0x1] =	stream.indirect.gather [hbm4b:s4+s20], $0x10, s2, s20, $0xb8;
	[tilespmem:$0x8A00] =	vst v63  }
0x44: {  	_ = 	snop  }
0x45: {  	[tilespmem:s22], [sflag:$0x1] =	stream.indirect.gather [hbm4b:s4+s19], $0x10, s21, s19, $0xb8;
	[tilespmem:$0x8A00] =	vst v63  }
0x46: {  	_ = 	snop  }
0x47: {  	[tilespmem:s23], [sflag:$0x1] =	stream.indirect.gather [hbm4b:s5+s20], $0x10, s17, s20, $0xb8;
	[tilespmem:$0x8A00] =	vst v63  }
0x48: {  	_ = 	snop  }
0x49: {  	[tilespmem:s26], [sflag:$0x1] =	stream.indirect.gather [hbm4b:s5+s24], $0x10, s25, s24, $0xb8;
	[tilespmem:$0x8A00] =	vst v63  }
0x4a: {  	_ =	swait.ge [sflag:s28], $0x800  }
0x4b: {  	[sflag:s28] =	ssyncset.done $0x0  }
0x4c: {  	[sflag:s28] =	ssyncadd.s32 $0xFFFFF800  }
0x4d: {  	_ =	swait.ge [sflag:s28], $0x800  }
0x4e: {  	[sflag:s28] =	ssyncset.done $0x0  }
0x4f: {  	[sflag:s28] =	ssyncadd.s32 $0xFFFFF800  }
0x50: {  	_ =	swait.ge [sflag:s28], $0x800  }
0x51: {  	[sflag:s28] =	ssyncset.done $0x0  }
0x52: {  	[sflag:s28] =	ssyncadd.s32 $0xFFFFF800  }
0x53: {  	_ =	swait.ge [sflag:s28], $0x800  }
0x54: {  	[sflag:s28] =	ssyncset.done $0x0  }
0x55: {  	[sflag:s28] =	ssyncadd.s32 $0xFFFFF800  }
0x56: {  	_ =	swait.ge [sflag:s28], $0x800  }
0x57: {  	[sflag:s28] =	ssyncset.done $0x0  }
0x58: {  	[sflag:s28] =	ssyncadd.s32 $0xFFFFF800  }
0x59: {  	_ =	swait.ge [sflag:s28], $0x800  }
0x5a: {  	[sflag:s28] =	ssyncset.done $0x0  }
0x5b: {  	[sflag:s28] =	ssyncadd.s32 $0xFFFFF800  }
0x5c: {  	_ =	swait.ge [sflag:s28], $0x800  }
0x5d: {  	[sflag:s28] =	ssyncset.done $0x0  }
0x5e: {  	[sflag:s28] =	ssyncadd.s32 $0xFFFFF800  }
0x5f: {  	_ =	swait.ge [sflag:s28], $0x800  }
0x60: {  	[sflag:s28] =	ssyncset.done $0x0  }
0x61: {  	[sflag:s28] =	ssyncadd.s32 $0xFFFFF800  }
0x62: {  	_ =	swait.ge [sflag:s28], $0x800  }
0x63: {  	[sflag:s28] =	ssyncset.done $0x0  }
0x64: {  	[sflag:s28] =	ssyncadd.s32 $0xFFFFF800  }
0x65: {  	_ =	swait.ge [sflag:s28], $0x800  }
0x66: {  	[sflag:s28] =	ssyncset.done $0x0  }
0x67: {  	[sflag:s28] =	ssyncadd.s32 $0xFFFFF800  }
0x68: {  	_ =	swait.ge [sflag:s28], $0x800  }
0x69: {  	[sflag:s28] =	ssyncset.done $0x0  }
0x6a: {  	[sflag:s28] =	ssyncadd.s32 $0xFFFFF800  }
0x6b: {  	_ =	swait.ge [sflag:s28], $0x300  }
0x6c: {  	[sflag:s28] =	ssyncset.done $0x0  }
0x6d: {  	[sflag:s28] =	ssyncadd.s32 $0xFFFFFD00  }
0x6e: {  	_ =	swait.ge [sflag:s28], $0x800  }
0x6f: {  	[sflag:s28] =	ssyncset.done $0x0  }
0x70: {  	[sflag:s28] =	ssyncadd.s32 $0xFFFFF800  }
0x71: {  	_ =	swait.ge [sflag:s28], $0x500  }
0x72: {  	s1 =	simm.s32 $0x0;
	[sflag:s28] =	ssyncset.done $0x0  }
0x73: {  	s0 =	simm.s32 $0xDF0;
	s3 =	simm.s32 $0x0;
	[sflag:s28] =	ssyncadd.s32 $0xFFFFFB00  }
.LBB2_3:
0x74: {  	s11 =	sshll.u32 s3, $0x2;
	s14 =	sand.u32 $0x3, s31  }
0x75: {  	s11 =	sand.u32 $0xFFFFFFE0, s11;
	s14 =	sshll.u32 s14, $0x3  }
0x76: {  	s11 =	sor.u32 s14, s11  }
0x77: {  	s11 =	sshrl.u32 s11, $0x2  }
0x78: {  	v0 =	vmov s0;
	s11 =	sadd.s32 $0x680, s11  }
0x79: {  	s16 =	simm.s32 $0x0;
	v2 =	vld [tilespmem:s11+$0x0]  }
0x7a: {  	v3 =	vld [tilespmem:s16+$0x7500]  }
0x7b: {  	v5 =	vld [tilespmem:s16+$0x7510]  }
0x7c: {  	v8 =	vld [tilespmem:s16+$0x7520]  }
0x7d: {  	v4 =	vld.idx.msk [tilespmem:v0+s16+$0xFFFFFF10 ss:$0x1], $0xffff  }
0x7e: {  	v11 =	vld [tilespmem:s16+$0x7530];
	v6 =	vbroadcast v2, $0x0  }
0x7f: {  	v7 =	vld.idx.msk [tilespmem:v0+s16+$0xFFFFFF20 ss:$0x1], $0xffff  }
0x80: {  	v13 =	vld [tilespmem:s16+$0x7540];
	v3 =	vmul.f32 v3, v6;
	v6 =	vbroadcast v2, $0x1  }
0x81: {  	v9 =	vld.idx.msk [tilespmem:v0+s16+$0xFFFFFF30 ss:$0x1], $0xffff;
	v10 =	vbroadcast v2, $0x2  }
0x82: {  	v58 =	vld [tilespmem:s16+$0x7560];
	v3 =	vmul.f32 v3, v4;
	v4 =	vmul.f32 v5, v6  }
0x83: {  	v12 =	vbroadcast v2, $0x3;
	v5 =	vld.idx.msk [tilespmem:v0+s16+$0xFFFFFF40 ss:$0x1], $0xffff;
	v6 =	vimm.f32 $0.0e+00  }
0x84: {  	v3 =	vadd.f32 v3, v6;
	v4 =	vmul.f32 v4, v7;
	v6 =	vmul.f32 v8, v10;
	v7 =	vld.idx.msk [tilespmem:v0+s16+$0xFFFFFF50 ss:$0x1], $0xffff  }
0x85: {  	v8 =	vbroadcast v2, $0x4;
	v10 =	vld [tilespmem:s16+$0x7550]  }
0x86: {  	v59 =	vld [tilespmem:s16+$0x7570];
	v3 =	vadd.f32 v4, v3;
	v4 =	vmul.f32 v6, v9;
	v6 =	vmul.f32 v11, v12  }
0x87: {  	v9 =	vld.idx.msk [tilespmem:v0+s16+$0xFFFFFF60 ss:$0x1], $0xffff;
	v11 =	vbroadcast v2, $0x5  }
0x88: {  	v60 =	vld [tilespmem:s16+$0x7590];
	v3 =	vadd.f32 v4, v3;
	v4 =	vmul.f32 v6, v5;
	v5 =	vmul.f32 v13, v8  }
0x89: {  	v6 =	vld.idx.msk [tilespmem:v0+s16+$0xFFFFFF70 ss:$0x1], $0xffff;
	v8 =	vbroadcast v2, $0x6  }
0x8a: {  	v3 =	vadd.f32 v4, v3;
	v4 =	vmul.f32 v5, v7;
	v5 =	vmul.f32 v10, v11;
	v7 =	vld.idx.msk [tilespmem:v0+s16+$0xFFFFFF80 ss:$0x1], $0xffff  }
0x8b: {  	v10 =	vbroadcast v2, $0x7;
	v11 =	vld [tilespmem:s16+$0x7580]  }
0x8c: {  	v61 =	vld [tilespmem:s16+$0x75A0];
	v3 =	vadd.f32 v4, v3;
	v4 =	vmul.f32 v5, v9;
	v5 =	vmul.f32 v58, v8  }
0x8d: {  	v8 =	vld.idx.msk [tilespmem:v0+s16+$0xFFFFFF90 ss:$0x1], $0xffff;
	v9 =	vbroadcast v2, $0x8  }
0x8e: {  	v62 =	vld [tilespmem:s16+$0x75C0];
	v3 =	vadd.f32 v4, v3;
	v4 =	vmul.f32 v5, v6;
	v5 =	vmul.f32 v59, v10  }
0x8f: {  	v6 =	vld.idx.msk [tilespmem:v0+s16+$0xFFFFFFA0 ss:$0x1], $0xffff;
	v10 =	vbroadcast v2, $0x9  }
0x90: {  	v3 =	vadd.f32 v4, v3;
	v4 =	vmul.f32 v5, v7;
	v5 =	vmul.f32 v11, v9;
	v7 =	vld.idx.msk [tilespmem:v0+s16+$0xFFFFFFB0 ss:$0x1], $0xffff  }
0x91: {  	v9 =	vbroadcast v2, $0xA;
	v11 =	vld [tilespmem:s16+$0x75B0]  }
0x92: {  	v14 =	vld [tilespmem:s16+$0x75D0];
	v3 =	vadd.f32 v4, v3;
	v4 =	vmul.f32 v5, v8;
	v5 =	vmul.f32 v60, v10  }
0x93: {  	v8 =	vld.idx.msk [tilespmem:v0+s16+$0xFFFFFFC0 ss:$0x1], $0xffff;
	v10 =	vbroadcast v2, $0xB  }
0x94: {  	v1 =	vld.idx.msk [tilespmem:v0+s16+$0x0 ss:$0x1], $0xffff;
	v3 =	vadd.f32 v4, v3;
	v4 =	vmul.f32 v5, v6;
	v5 =	vmul.f32 v61, v9  }
0x95: {  	v63 =	vld.idx.msk [tilespmem:v0+s16+$0xFFFFFFD0 ss:$0x1], $0xffff;
	v9 =	vbroadcast v2, $0xC  }
0x96: {  	v6 =	vld [tilespmem:s16+$0x75E0];
	v3 =	vadd.f32 v4, v3;
	v5 =	vmul.f32 v5, v7;
	v7 =	vmul.f32 v11, v10  }
0x97: {  	v4 =	vld.idx.msk [tilespmem:v0+s16+$0xFFFFFFE0 ss:$0x1], $0xffff;
	v11 =	vbroadcast v2, $0xD  }
0x98: {  	v12 =	vmul.f32 v62, v9;
	v10 =	vadd.f32 v5, v3;
	v15 =	vmul.f32 v7, v8;
	v5 =	vld.idx.msk [tilespmem:v0+s16+$0xFFFFFFF0 ss:$0x1], $0xffff  }
0x99: {  	v8 =	vbroadcast v2, $0xE;
	v7 =	vld [tilespmem:s16+$0x75F0];
	s16 =	sadd.s32 $0x10, s11  }
0x9a: {  	s14 =	simm.s32 $0x100;
	s11 =	simm.s32 $0x800;
	v11 =	vmul.f32 v14, v11;
	v3 =	vld [tilespmem:s16+$0x0];
	v9 =	vadd.f32 v15, v10;
	v10 =	vmul.f32 v12, v63  }
.LBB2_4:
0x9b: {  	p0 =	sne.s32 s11, $0x2800;
	v12 =	vld.idx.msk [tilespmem:v0+s14+$0x0 ss:$0x1], $0xffff;
	v2 =	vbroadcast v2, $0xF  }
0x9c: {  	v13 =	vld [tilespmem:s14+$0x7500];
	v9 =	vadd.f32 v10, v9;
	v4 =	vmul.f32 v11, v4;
	v6 =	vmul.f32 v6, v8  }
0x9d: {  	v8 =	vld.idx.msk [tilespmem:v0+s14+$0xFFFFFF10 ss:$0x1], $0xffff  }
0x9e: {  	v10 =	vld [tilespmem:s14+$0x7510];
	v4 =	vadd.f32 v4, v9;
	v5 =	vmul.f32 v6, v5;
	v6 =	vmul.f32 v7, v2  }
0x9f: {  	v7 =	vbroadcast v3, $0x0;
	v9 =	vld.idx.msk [tilespmem:v0+s14+$0xFFFFFF20 ss:$0x1], $0xffff;
	v2 =	vmov v3  }
0xa0: {  	v3 =	vld [tilespmem:s14+$0x7520];
	v4 =	vadd.f32 v5, v4;
	v5 =	vmul.f32 v6, v1  }
0xa1: {  	v1 =	vmov v12;
	v6 =	vmul.f32 v13, v7;
	v7 =	vbroadcast v2, $0x1;
	v11 =	vld.idx.msk [tilespmem:v0+s14+$0xFFFFFF30 ss:$0x1], $0xffff  }
0xa2: {  	v12 =	vbroadcast v2, $0x2;
	v13 =	vld [tilespmem:s14+$0x7530];
	v4 =	vadd.f32 v5, v4  }
0xa3: {  	v5 =	vmul.f32 v6, v8;
	v6 =	vmul.f32 v10, v7;
	v7 =	vld.idx.msk [tilespmem:v0+s14+$0xFFFFFF40 ss:$0x1], $0xffff  }
0xa4: {  	v8 =	vbroadcast v2, $0x3;
	v10 =	vld [tilespmem:s14+$0x7540]  }
0xa5: {  	v4 =	vadd.f32 v5, v4;
	v5 =	vmul.f32 v6, v9;
	v3 =	vmul.f32 v3, v12;
	v6 =	vld.idx.msk [tilespmem:v0+s14+$0xFFFFFF50 ss:$0x1], $0xffff  }
0xa6: {  	v9 =	vbroadcast v2, $0x4;
	v12 =	vld [tilespmem:s14+$0x7550]  }
0xa7: {  	v4 =	vadd.f32 v5, v4;
	v3 =	vmul.f32 v3, v11;
	v5 =	vmul.f32 v13, v8;
	v8 =	vld.idx.msk [tilespmem:v0+s14+$0xFFFFFF60 ss:$0x1], $0xffff  }
0xa8: {  	v11 =	vbroadcast v2, $0x5;
	v13 =	vld [tilespmem:s14+$0x7560]  }
0xa9: {  	v3 =	vadd.f32 v3, v4;
	v4 =	vmul.f32 v5, v7;
	v5 =	vmul.f32 v10, v9;
	v7 =	vld.idx.msk [tilespmem:v0+s14+$0xFFFFFF70 ss:$0x1], $0xffff  }
0xaa: {  	v9 =	vbroadcast v2, $0x6;
	v10 =	vld [tilespmem:s14+$0x7570]  }
0xab: {  	v3 =	vadd.f32 v4, v3;
	v4 =	vmul.f32 v5, v6;
	v5 =	vmul.f32 v12, v11;
	v6 =	vld.idx.msk [tilespmem:v0+s14+$0xFFFFFF80 ss:$0x1], $0xffff  }
0xac: {  	v11 =	vbroadcast v2, $0x7;
	v12 =	vld [tilespmem:s14+$0x7580]  }
0xad: {  	v3 =	vadd.f32 v4, v3;
	v4 =	vmul.f32 v5, v8;
	v5 =	vmul.f32 v13, v9;
	v8 =	vld.idx.msk [tilespmem:v0+s14+$0xFFFFFF90 ss:$0x1], $0xffff  }
0xae: {  	v9 =	vbroadcast v2, $0x8;
	v13 =	vld [tilespmem:s14+$0x7590]  }
0xaf: {  	v3 =	vadd.f32 v4, v3;
	v4 =	vmul.f32 v5, v7;
	v5 =	vmul.f32 v10, v11;
	v7 =	vld.idx.msk [tilespmem:v0+s14+$0xFFFFFFA0 ss:$0x1], $0xffff  }
0xb0: {  	v10 =	vbroadcast v2, $0x9;
	v11 =	vld [tilespmem:s14+$0x75A0]  }
0xb1: {  	v3 =	vadd.f32 v4, v3;
	v4 =	vmul.f32 v5, v6;
	v5 =	vmul.f32 v12, v9;
	v6 =	vld.idx.msk [tilespmem:v0+s14+$0xFFFFFFB0 ss:$0x1], $0xffff  }
0xb2: {  	v9 =	vbroadcast v2, $0xA;
	v12 =	vld [tilespmem:s14+$0x75B0]  }
0xb3: {  	v3 =	vadd.f32 v4, v3;
	v4 =	vmul.f32 v5, v8;
	v5 =	vmul.f32 v13, v10;
	v8 =	vld.idx.msk [tilespmem:v0+s14+$0xFFFFFFC0 ss:$0x1], $0xffff  }
0xb4: {  	v10 =	vbroadcast v2, $0xB;
	v13 =	vld [tilespmem:s14+$0x75C0]  }
0xb5: {  	v3 =	vadd.f32 v4, v3;
	v4 =	vmul.f32 v5, v7;
	v5 =	vmul.f32 v11, v9;
	v11 =	vld.idx.msk [tilespmem:v0+s14+$0xFFFFFFD0 ss:$0x1], $0xffff  }
0xb6: {  	v7 =	vbroadcast v2, $0xC;
	v14 =	vld [tilespmem:s14+$0x75D0]  }
.Ltmp0:
0xb7: {  	v3 =	vadd.f32 v4, v3;
	v5 =	vmul.f32 v5, v6;
	v9 =	vmul.f32 v12, v10;
	v4 =	vld.idx.msk [tilespmem:v0+s14+$0xFFFFFFE0 ss:$0x1], $0xffff;
	(pc) =	sbr.rel @p0 .LBB2_4-.Ltmp0, $4  }
0xb8: {  	v12 =	vbroadcast v2, $0xD;
	v6 =	vld [tilespmem:s14+$0x75E0]  }
0xb9: {  	v10 =	vadd.f32 v5, v3;
	v9 =	vmul.f32 v9, v8;
	v13 =	vmul.f32 v13, v7;
	v5 =	vld.idx.msk [tilespmem:v0+s14+$0xFFFFFFF0 ss:$0x1], $0xffff  }
0xba: {  	s16 =	sadd.s32 $0x10, s16;
	v8 =	vbroadcast v2, $0xE;
	v7 =	vld [tilespmem:s14+$0x75F0]  }
0xbb: {  	s14 =	sshra.s32 s11, $0x2;
	s11 =	sadd.s32 $0x400, s11;
	v3 =	vld [tilespmem:s16+$0x0];
	v9 =	vadd.f32 v9, v10;
	v10 =	vmul.f32 v13, v11;
	v11 =	vmul.f32 v14, v12  }
0xbc: {  	_ =	sdelay $0x3  }
0xbd: {  	v12 =	vld.idx.msk [tilespmem:v0+s14+$0x0 ss:$0x1], $0xffff  }
0xbe: {  	v13 =	vld [tilespmem:s14+$0x7500]  }
0xbf: {  	v14 =	vld.idx.msk [tilespmem:v0+s14+$0xFFFFFF10 ss:$0x1], $0xffff  }
0xc0: {  	v2 =	vbroadcast v2, $0xF;
	v15 =	vld [tilespmem:s14+$0x7510]  }
0xc1: {  	v59 =	vld.idx.msk [tilespmem:v0+s14+$0xFFFFFF20 ss:$0x1], $0xffff;
	v9 =	vadd.f32 v10, v9;
	v4 =	vmul.f32 v11, v4;
	v6 =	vmul.f32 v6, v8  }
0xc2: {  	v60 =	vld [tilespmem:s14+$0x7520];
	v2 =	vmul.f32 v7, v2  }
0xc3: {  	v62 =	vld.idx.msk [tilespmem:v0+s14+$0xFFFFFF30 ss:$0x1], $0xffff;
	v4 =	vadd.f32 v4, v9;
	v5 =	vmul.f32 v6, v5;
	v61 =	vbroadcast v3, $0x0  }
0xc4: {  	v63 =	vld [tilespmem:s14+$0x7530];
	v19 =	vbroadcast v3, $0x1  }
0xc5: {  	v20 =	vld.idx.msk [tilespmem:v0+s14+$0xFFFFFF40 ss:$0x1], $0xffff;
	v1 =	vmul.f32 v2, v1;
	v4 =	vadd.f32 v5, v4;
	v18 =	vmul.f32 v13, v61  }
0xc6: {  	v22 =	vld [tilespmem:s14+$0x7540];
	v21 =	vbroadcast v3, $0x2  }
0xc7: {  	v25 =	vld.idx.msk [tilespmem:v0+s14+$0xFFFFFF50 ss:$0x1], $0xffff;
	v24 =	vmul.f32 v15, v19;
	v1 =	vadd.f32 v1, v4;
	v23 =	vmul.f32 v18, v14  }
0xc8: {  	v27 =	vld [tilespmem:s14+$0x7550];
	v26 =	vbroadcast v3, $0x3  }
0xc9: {  	v30 =	vld.idx.msk [tilespmem:v0+s14+$0xFFFFFF60 ss:$0x1], $0xffff;
	v29 =	vmul.f32 v60, v21;
	v28 =	vmul.f32 v24, v59;
	v1 =	vadd.f32 v23, v1  }
0xca: {  	v32 =	vld [tilespmem:s14+$0x7560];
	v31 =	vbroadcast v3, $0x4  }
0xcb: {  	v34 =	vld.idx.msk [tilespmem:v0+s14+$0xFFFFFF70 ss:$0x1], $0xffff;
	v2 =	vmul.f32 v63, v26;
	v33 =	vmul.f32 v29, v62;
	v1 =	vadd.f32 v28, v1  }
0xcc: {  	v36 =	vld [tilespmem:s14+$0x7570];
	v35 =	vbroadcast v3, $0x5  }
0xcd: {  	v38 =	vld.idx.msk [tilespmem:v0+s14+$0xFFFFFF80 ss:$0x1], $0xffff;
	v37 =	vmul.f32 v22, v31;
	v2 =	vmul.f32 v2, v20;
	v1 =	vadd.f32 v33, v1  }
0xce: {  	v40 =	vld [tilespmem:s14+$0x7580];
	v39 =	vbroadcast v3, $0x6  }
0xcf: {  	v43 =	vld.idx.msk [tilespmem:v0+s14+$0xFFFFFF90 ss:$0x1], $0xffff;
	v42 =	vmul.f32 v27, v35;
	v41 =	vmul.f32 v37, v25;
	v1 =	vadd.f32 v2, v1  }
0xd0: {  	v45 =	vld [tilespmem:s14+$0x7590];
	v44 =	vbroadcast v3, $0x7  }
0xd1: {  	v48 =	vld.idx.msk [tilespmem:v0+s14+$0xFFFFFFA0 ss:$0x1], $0xffff;
	v47 =	vmul.f32 v32, v39;
	v46 =	vmul.f32 v42, v30;
	v1 =	vadd.f32 v41, v1  }
0xd2: {  	v50 =	vld [tilespmem:s14+$0x75A0];
	v49 =	vbroadcast v3, $0x8  }
0xd3: {  	v53 =	vld.idx.msk [tilespmem:v0+s14+$0xFFFFFFB0 ss:$0x1], $0xffff;
	v52 =	vmul.f32 v36, v44;
	v51 =	vmul.f32 v47, v34;
	v1 =	vadd.f32 v46, v1  }
0xd4: {  	v55 =	vld [tilespmem:s14+$0x75B0];
	v54 =	vbroadcast v3, $0x9  }
0xd5: {  	v58 =	vld.idx.msk [tilespmem:v0+s14+$0xFFFFFFC0 ss:$0x1], $0xffff;
	v57 =	vmul.f32 v40, v49;
	v56 =	vmul.f32 v52, v38;
	v1 =	vadd.f32 v51, v1  }
0xd6: {  	v60 =	vld [tilespmem:s14+$0x75C0];
	v59 =	vbroadcast v3, $0xA  }
0xd7: {  	v63 =	vld.idx.msk [tilespmem:v0+s14+$0xFFFFFFD0 ss:$0x1], $0xffff;
	v61 =	vmul.f32 v57, v43;
	v62 =	vmul.f32 v45, v54;
	v1 =	vadd.f32 v56, v1  }
0xd8: {  	s11 =	smul.u32 $0x2D8, s1;
	v19 =	vld [tilespmem:s14+$0x75D0];
	v18 =	vbroadcast v3, $0xB  }
0xd9: {  	v22 =	vld.idx.msk [tilespmem:v0+s14+$0xFFFFFFE0 ss:$0x1], $0xffff;
	v20 =	vmul.f32 v62, v48;
	v21 =	vmul.f32 v50, v59;
	v1 =	vadd.f32 v61, v1  }
0xda: {  	s16 =	smul.u32 $0x2D80, s1;
	s11 =	sshra.s32 s11, $0x2;
	v27 =	vld.idx.msk [tilespmem:v0+s14+$0xFFFFFFF0 ss:$0x1], $0xffff;
	v23 =	vbroadcast v3, $0xC  }
0xdb: {  	v32 =	vld [tilespmem:s11+$0x726];
	v26 =	vmul.f32 v55, v18;
	v25 =	vmul.f32 v21, v53;
	v1 =	vadd.f32 v20, v1  }
0xdc: {  	s16 =	sshra.s32 s16, $0x2;
	v24 =	vld [tilespmem:s14+$0x75E0];
	v28 =	vbroadcast v3, $0xD  }
0xdd: {  	v39 =	vld [tilespmem:s16+$0x1810];
	v30 =	vmul.f32 v26, v58;
	v31 =	vmul.f32 v60, v23;
	v1 =	vadd.f32 v25, v1  }
0xde: {  	v29 =	vld [tilespmem:s14+$0x75F0];
	v33 =	vbroadcast v3, $0xE  }
0xdf: {  	v49 =	vld [tilespmem:$0x8030];
	v35 =	vmul.f32 v31, v63;
	v36 =	vmul.f32 v19, v28;
	v1 =	vadd.f32 v30, v1  }
0xe0: {  	v37 =	vld [tilespmem:$0x8000];
	v38 =	vbroadcast v3, $0xF  }
0xe1: {  	v34 =	vld [tilespmem:s16+$0x1800];
	v40 =	vmul.f32 v36, v22;
	v41 =	vmul.f32 v24, v33;
	v1 =	vadd.f32 v35, v1  }
0xe2: {  	v42 =	vld [tilespmem:$0x8010];
	v44 =	vbroadcast v32, $0xA  }
0xe3: {  	v43 =	vld [tilespmem:s16+$0x1820];
	v3 =	vmul.f32 v29, v38;
	v0 =	vmul.f32 v41, v27;
	v1 =	vadd.f32 v40, v1  }
0xe4: {  	s11 =	smul.u32 $0x1A, s1;
	v45 =	vld [tilespmem:$0x8020];
	v48 =	vbroadcast v32, $0xB  }
0xe5: {  	v52 =	vld [tilespmem:$0x8040];
	v47 =	vmul.f32 v37, v44;
	v3 =	vmul.f32 v3, v12;
	v0 =	vadd.f32 v0, v1  }
0xe6: {  	v9 =	vld [tilespmem:s11+$0xC30];
	v50 =	vbroadcast v32, $0xC  }
0xe7: {  	v53 =	vld [tilespmem:s16+$0x1850];
	v2 =	vmul.f32 v42, v48;
	v1 =	vmul.f32 v47, v34;
	v0 =	vadd.f32 v3, v0  }
0xe8: {  	v55 =	vbroadcast v32, $0xD;
	v46 =	vld [tilespmem:s16+$0x1830]  }
0xe9: {  	v4 =	vmul.f32 v45, v50;
	v54 =	vmul.f32 v2, v39;
	v51 =	vld [tilespmem:s16+$0x1840];
	v0 =	vadd.f32 v1, v0  }
0xea: {  	v58 =	vbroadcast v32, $0xE;
	v56 =	vld [tilespmem:$0x8050]  }
0xeb: {  	v60 =	vld [tilespmem:$0x8060];
	v57 =	vmul.f32 v49, v55;
	v4 =	vmul.f32 v4, v43;
	s16 =	smul.u32 $0x680, s1;
	v0 =	vadd.f32 v54, v0  }
0xec: {  	v17 =	vld [tilespmem:$0x8080];
	v8 =	vbroadcast v32, $0xF  }
0xed: {  	v63 =	vld [tilespmem:$0x8070];
	v2 =	vmul.f32 v52, v58;
	s14 =	sshra.s32 s16, $0x2;
	v1 =	vmul.f32 v57, v46;
	v0 =	vadd.f32 v4, v0  }
0xee: {  	v16 =	vbroadcast v9, $0x0;
	v59 =	vld [tilespmem:s14+$0x6800]  }
0xef: {  	v23 =	vld [tilespmem:$0x8090];
	v15 =	vmul.f32 v2, v51;
	v62 =	vmul.f32 v56, v8;
	v0 =	vadd.f32 v1, v0  }
0xf0: {  	v19 =	vmul.f32 v60, v16;
	v61 =	vld [tilespmem:s14+$0x6810]  }
0xf1: {  	v26 =	vld [tilespmem:$0x80A0];
	v20 =	vbroadcast v9, $0x1;
	v4 =	vmul.f32 v62, v53;
	v0 =	vadd.f32 v15, v0  }
0xf2: {  	v22 =	vbroadcast v9, $0x2;
	v18 =	vld [tilespmem:s14+$0x6820]  }
0xf3: {  	v37 =	vld [tilespmem:$0x80D0];
	v2 =	vmul.f32 v63, v20;
	v1 =	vmul.f32 v19, v59;
	v0 =	vadd.f32 v4, v0  }
0xf4: {  	v28 =	vbroadcast v9, $0x3;
	v21 =	vld [tilespmem:s14+$0x6830]  }
0xf5: {  	v29 =	vld [tilespmem:$0x80B0];
	v25 =	vmul.f32 v17, v22;
	v27 =	vmul.f32 v2, v61;
	v0 =	vadd.f32 v1, v0  }
0xf6: {  	v32 =	vbroadcast v9, $0x4;
	v24 =	vld [tilespmem:s14+$0x6840]  }
0xf7: {  	v31 =	vmul.f32 v23, v28;
	v5 =	vmul.f32 v25, v18;
	v30 =	vld [tilespmem:s14+$0x6850];
	v0 =	vadd.f32 v27, v0  }
0xf8: {  	v2 =	vmul.f32 v26, v32;
	v35 =	vld [tilespmem:$0x80C0]  }
0xf9: {  	v48 =	vld [tilespmem:$0x8100];
	v34 =	vbroadcast v9, $0x5;
	v1 =	vmul.f32 v31, v21;
	v0 =	vadd.f32 v5, v0  }
0xfa: {  	v39 =	vbroadcast v9, $0x6;
	v33 =	vld [tilespmem:s14+$0x6860]  }
0xfb: {  	v36 =	vld [tilespmem:s14+$0x6870];
	v38 =	vmul.f32 v2, v24;
	v3 =	vmul.f32 v29, v34;
	v0 =	vadd.f32 v1, v0  }
0xfc: {  	v43 =	vbroadcast v9, $0x7;
	v40 =	vld [tilespmem:$0x80E0]  }
0xfd: {  	v41 =	vld [tilespmem:s14+$0x6880];
	v42 =	vmul.f32 v35, v39;
	v3 =	vmul.f32 v3, v30;
	v0 =	vadd.f32 v38, v0  }
0xfe: {  	v45 =	vbroadcast v9, $0x8;
	v46 =	vld [tilespmem:$0x80F0]  }
0xff: {  	s16 =	sshll.u32 s11, $0x4;
	v44 =	vld [tilespmem:s14+$0x6890];
	v2 =	vmul.f32 v37, v43;
	v1 =	vmul.f32 v42, v33;
	v0 =	vadd.f32 v3, v0  }
0x100: {  	v50 =	vbroadcast v9, $0x9;
	s16 =	sadd.s32 $0xA0, s16;
	v52 =	vld [tilespmem:s14+$0x68B0]  }
0x101: {  	s16 =	sand.u32 $0x3FFFFFE0, s16;
	v51 =	vld [tilespmem:$0x8110];
	v49 =	vmul.f32 v2, v36;
	v4 =	vmul.f32 v40, v45;
	v0 =	vadd.f32 v1, v0  }
0x102: {  	v47 =	vld [tilespmem:s16+$0x6800];
	v54 =	vbroadcast v9, $0xA  }
0x103: {  	v55 =	vld [tilespmem:s14+$0x68C0];
	v53 =	vmul.f32 v46, v50;
	v4 =	vmul.f32 v4, v41;
	v0 =	vadd.f32 v49, v0  }
0x104: {  	v56 =	vbroadcast v9, $0xB;
	v57 =	vld [tilespmem:$0x8120]  }
0x105: {  	v58 =	vld [tilespmem:s14+$0x68D0];
	v2 =	vmul.f32 v48, v54;
	v1 =	vmul.f32 v53, v44;
	v0 =	vadd.f32 v4, v0  }
0x106: {  	v61 =	vbroadcast v9, $0xC;
	v59 =	vld [tilespmem:$0x8130]  }
0x107: {  	v63 =	vld [tilespmem:s14+$0x68E0];
	v60 =	vmul.f32 v2, v47;
	v5 =	vmul.f32 v51, v56;
	v0 =	vadd.f32 v1, v0  }
0x108: {  	v17 =	vbroadcast v9, $0xD;
	v62 =	vld [tilespmem:$0x8140]  }
0x109: {  	v20 =	vld [tilespmem:s11+$0xC3A];
	v16 =	vmul.f32 v57, v61;
	v5 =	vmul.f32 v5, v52;
	v0 =	vadd.f32 v60, v0  }
0x10a: {  	v18 =	vld [tilespmem:$0x8150];
	v19 =	vbroadcast v9, $0xE  }
0x10b: {  	v22 =	vld [tilespmem:$0x8160];
	v2 =	vmul.f32 v59, v17;
	v1 =	vmul.f32 v16, v55;
	v0 =	vadd.f32 v5, v0  }
0x10c: {  	v24 =	vbroadcast v9, $0xF;
	v21 =	vld [tilespmem:s14+$0x68F0]  }
0x10d: {  	v25 =	vld [tilespmem:$0x8170];
	v23 =	vmul.f32 v2, v58;
	v3 =	vmul.f32 v62, v19;
	v0 =	vadd.f32 v1, v0  }
0x10e: {  	v26 =	vld [tilespmem:s14+$0x6900];
	v28 =	vbroadcast v20, $0x6  }
0x10f: {  	v29 =	vld [tilespmem:s14+$0x6910];
	v27 =	vmul.f32 v18, v24;
	v3 =	vmul.f32 v3, v63;
	v0 =	vadd.f32 v23, v0  }
0x110: {  	v30 =	vbroadcast v20, $0x7;
	v31 =	vld [tilespmem:$0x8180]  }
0x111: {  	v32 =	vld [tilespmem:s14+$0x6920];
	v2 =	vmul.f32 v22, v28;
	v1 =	vmul.f32 v27, v21;
	v0 =	vadd.f32 v3, v0  }
0x112: {  	v35 =	vbroadcast v20, $0x8;
	v33 =	vld [tilespmem:$0x8190]  }
0x113: {  	v37 =	vld [tilespmem:s14+$0x6930];
	v34 =	vmul.f32 v2, v26;
	v4 =	vmul.f32 v25, v30;
	v0 =	vadd.f32 v1, v0  }
0x114: {  	v36 =	vld [tilespmem:$0x81A0];
	v39 =	vbroadcast v20, $0x9  }
0x115: {  	v40 =	vld [tilespmem:s14+$0x6940];
	v38 =	vmul.f32 v31, v35;
	v4 =	vmul.f32 v4, v29;
	v0 =	vadd.f32 v34, v0  }
0x116: {  	v41 =	vbroadcast v20, $0xA;
	v42 =	vld [tilespmem:$0x81B0]  }
0x117: {  	v43 =	vld [tilespmem:s14+$0x6950];
	v2 =	vmul.f32 v33, v39;
	v1 =	vmul.f32 v38, v32;
	v0 =	vadd.f32 v4, v0  }
0x118: {  	v47 =	vbroadcast v20, $0xB;
	v45 =	vld [tilespmem:$0x81C0]  }
0x119: {  	v48 =	vld [tilespmem:$0x81D0];
	v44 =	vmul.f32 v36, v41;
	v46 =	vmul.f32 v2, v37;
	v0 =	vadd.f32 v1, v0  }
0x11a: {  	v51 =	vbroadcast v20, $0xC;
	v49 =	vld [tilespmem:s14+$0x6960]  }
0x11b: {  	v54 =	vld [tilespmem:$0x81E0];
	v50 =	vmul.f32 v42, v47;
	v4 =	vmul.f32 v44, v40;
	v0 =	vadd.f32 v46, v0  }
0x11c: {  	v52 =	vld [tilespmem:s14+$0x6970];
	v53 =	vbroadcast v20, $0xD  }
0x11d: {  	v57 =	vld [tilespmem:$0x81F0];
	v2 =	vmul.f32 v45, v51;
	v1 =	vmul.f32 v50, v43;
	v0 =	vadd.f32 v4, v0  }
0x11e: {  	v59 =	vbroadcast v20, $0xE;
	v55 =	vld [tilespmem:s14+$0x6980]  }
0x11f: {  	v56 =	vmul.f32 v48, v53;
	v58 =	vmul.f32 v2, v49;
	v0 =	vadd.f32 v1, v0  }
0x120: {  	v61 =	vmul.f32 v54, v59;
	v60 =	vld [tilespmem:s14+$0x6990]  }
0x121: {  	v62 =	vbroadcast v20, $0xF;
	v4 =	vmul.f32 v56, v52;
	v0 =	vadd.f32 v58, v0;
	_ =	sdelay $0x1  }
0x122: {  	s16 =	sadd.s32 s30, s1;
	s1 =	sadd.s32 $0x1, s1;
	v2 =	vmul.f32 v57, v62;
	v1 =	vmul.f32 v61, v55;
	v0 =	vadd.f32 v4, v0  }
0x123: {  	p0 =	sne.s32 s1, $0x8  }
.Ltmp1:
0x124: {  	v63 =	vmul.f32 v2, v60;
	v0 =	vadd.f32 v1, v0;
	(pc) =	sbr.rel @p0 .LBB2_3-.Ltmp1, $4  }
0x125: {  	_ = 	snop  }
0x126: {  	s11 =	sshll.u32 s16, $0x4;
	v0 =	vadd.f32 v63, v0  }
0x127: {  	s11 =	sand.u32 $0x3FFFFFF0, s11  }
0x128: {  	s3 =	sadd.s32 $0xB6, s3;
	s31 =	sadd.s32 $0x3, s31;
	s0 =	sadd.s32 $0xB60, s0;
	[tilespmem:s11+$0x8200] =	vst v0  }
0x129: {  	s29 =	sadd.s32 $0x1, s29  }
0x12a: {  	p0 =	sne.s32 s29, $0x10  }
.Ltmp2:
0x12b: {  	_ = 	snop;
	(pc) =	sbr.rel @p0 .LBB2_2-.Ltmp2, $1  }
0x12c: {  	_ =	sdelay $0x3  }
0x12d: {  	s11 =	simm.s32 $0x0;
	s0 =	rddreg [dreg:$0x4];
	s1 =	simm.s32 $0x8200  }
0x12e: {  	[hbm4b:s0+s11] =	stream.linear.scatter [tilespmem:s1], [sflag:$0x2], $0x800, $0x38;
	[tilespmem:$0x8A00] =	vst v63  }
0x12f: {  	_ =	swait.ge [sflag:s15], $0x800  }
0x130: {  	s30 =	rddreg [dreg:$0x6]  }
0x131: {  	s31 =	rddreg [dreg:$0x5];
	s1 =	sadd.s32 $0x1, s30  }
0x132: {  	p0 =	sne.s32 s1, s31  }
.Ltmp3:
0x133: {  	_ = 	snop;
	(pc) =	sbr.rel @p0 .LBB2_1-.Ltmp3, $3  }
0x134: {  	_ =	sdelay $0x1  }
0x135: {  	[sflag:s15] =	ssyncset.done $0x0  }
0x136: {  	[sflag:s15] =	ssyncadd.s32 $0xFFFFF800  }
0x137: {  	_ =	sfence.sel $0x180000  }
0x138: {  	[bflag:$0x0] =	sbarrier.arrive $0xFFFF  }
0x139: {  	_ =	strace $0x90000047  }
0x13a: {  	s0 =	stileid.u32;
	[bflag:$0x2] =	sbarrier.arrive $0xFFFF  }
0x13b: {  	p0 =	sne.s32 s0, $0x0;
	s0 =	rddreg [dreg:$0x2]  }
0x13c: {  	s0 =	sadd.s32 @!p0 $0x100000, s0  }
0x13d: {  	[sflag:s0] =	ssyncadd.tile.s32 @!p0 $0x1;
	_ =	shalt  }
.Lfunc_end2:
_tile_overlayer_lowered:
.L_overlay_start_2:
0x13e: {  	(tag) =	ssettag $0x2  }
0x13f: {  	s0 =	rddreg [dreg:$0x0];
	s2 =	stileid.u32  }
0x140: {  	s1 =	rddreg [dreg:$0x1];
	p0 =	sne.s32 s2, $0x0  }
0x141: {  	s3 =	rddreg [dreg:$0x2];
	[bflag:$0x3] =	sbarrier.arrive $0xFFFF;
	s2 =	simm.s32 @!p0 $0x1C02  }
0x142: {  	[timem:s3], [sflag:s2] =	dma.local @!p0 [hbm:s0], s1  }
0x143: {  	s0 =	simm.s32 @!p0 $0x2  }
0x144: {  	_ =	swait.ge @!p0 [sflag:s0], s1  }
0x145: {  	s1 =	ssub.s32 @!p0 $0x0, s1;
	[sflag:s0] =	ssyncset.done @!p0 $0x0  }
0x146: {  	[sflag:s0] =	ssyncadd.s32 @!p0 s1  }
0x147: {  	[bflag:$0x3] =	sbarrier.arrive $0xFFFF  }
0x148: {  	_ =	shalt  }

</sc_bundles>
